<compile_context>
chip_gen: v7x
topology: tpu7x:2x2x1
jax: 0.10.2.dev20260603
libtpu: 0.0.44.dev20260713+nightly
codegen_flags: <defaults>
</compile_context>

<pallas_src>
import functools

import jax
import jax.numpy as jnp
from jax import lax
from jax.experimental import pallas as pl
from jax.experimental.pallas import tpu as pltpu
from jax.experimental.pallas import tpu_sc as plsc

N = 10000
E = 320000
D_IN = 128
D_HID = 64
D_OUT = 5
D2 = 8

NC = 2
NS = 16
NW = NC * NS
L = 16

TRASH = N
N_PAD = 10240
B = 512
GRID = N_PAD // B

CHUNK = 128
CHUNKS_PER_TILE = 80
E_PAD = NW * CHUNKS_PER_TILE * CHUNK

_mesh = plsc.VectorSubcoreMesh(core_axis_name="c", subcore_axis_name="s")
_sc_params = pltpu.CompilerParams(
    needs_layout_passes=False, use_tc_tiling_on_sc=False
)

_EPT_H = E_PAD // NW


@functools.partial(
    pl.kernel,
    mesh=_mesh,
    out_type=jax.ShapeDtypeStruct((NW, N_PAD), jnp.float32),
    compiler_params=_sc_params,
    scratch_types=[
        pltpu.VMEM((_EPT_H,), jnp.int32),
        pltpu.VMEM((N_PAD,), jnp.float32),
    ],
)
def _hist_sc(dst_hbm, out_hbm, dst_v, hist_v):
    cid = lax.axis_index("c")
    sid = lax.axis_index("s")
    wid = cid * NS + sid
    pltpu.sync_copy(dst_hbm.at[pl.ds(wid * _EPT_H, _EPT_H)], dst_v)

    def zero(i, carry):
        hist_v[pl.ds(i * L, L)] = jnp.zeros((L,), jnp.float32)
        return carry

    lax.fori_loop(0, N_PAD // L, zero, 0)

    ones = jnp.ones((L,), jnp.float32)

    def body(i, carry):
        idx = dst_v[pl.ds(i * L, L)]
        plsc.addupdate_scatter(hist_v, [idx], ones)
        return carry

    lax.fori_loop(0, _EPT_H // L, body, 0)
    pltpu.sync_copy(hist_v, out_hbm.at[wid])


def _make_msgpass(D):
    NB = CHUNKS_PER_TILE
    STRIPE = N_PAD // NS

    @functools.partial(
        pl.kernel,
        mesh=_mesh,
        out_type=[
            jax.ShapeDtypeStruct((N_PAD, D), jnp.float32),
            jax.ShapeDtypeStruct((N_PAD, D), jnp.float32),
        ],
        compiler_params=_sc_params,
        scratch_types=[
            pltpu.VMEM((NB, CHUNK), jnp.int32),
            pltpu.VMEM((NB, CHUNK), jnp.int32),
            pltpu.VMEM((CHUNK, D), jnp.float32),
            pltpu.VMEM((CHUNK, D), jnp.float32),
            pltpu.VMEM((CHUNK, D), jnp.float32),
            pltpu.VMEM((CHUNK, D), jnp.float32),
            pltpu.VMEM_SHARED((N_PAD, D), jnp.float32),
            pltpu.VMEM_SHARED((N_PAD, D), jnp.float32),
            pltpu.SemaphoreType.DMA,
            pltpu.SemaphoreType.DMA,
        ],
    )
    def msgpass(src_hbm, dst_hbm, table_hbm, zeros_hbm, out0_hbm, out1_hbm,
                sidx_v, didx_v, r0, r1, r2, r3, acc_sh, table_sh, gsem, ssem):
        cid = lax.axis_index("c")
        sid = lax.axis_index("s")
        bufs = [r0, r1, r2, r3]
        row0 = sid * STRIPE
        chunk0 = (cid * NS + sid) * NB

        z = pltpu.async_copy(zeros_hbm.at[pl.ds(row0, STRIPE)],
                             acc_sh.at[pl.ds(row0, STRIPE)], ssem)
        t = pltpu.async_copy(table_hbm.at[pl.ds(row0, STRIPE)],
                             table_sh.at[pl.ds(row0, STRIPE)], ssem)
        s = pltpu.async_copy(src_hbm.at[pl.ds(chunk0, NB)], sidx_v, ssem)
        d = pltpu.async_copy(dst_hbm.at[pl.ds(chunk0, NB)], didx_v, ssem)
        z.wait()
        t.wait()
        s.wait()
        d.wait()
        plsc.subcore_barrier()

        pltpu.async_copy(table_sh.at[sidx_v.at[0]], r0, gsem)
        pltpu.async_copy(table_sh.at[sidx_v.at[1]], r1, gsem)

        def body(i, carry):
            j0 = i * 4
            for k in range(4):
                j = j0 + k
                buf = bufs[k]
                nbuf = bufs[(k + 2) % 4]
                pltpu.make_async_copy(
                    table_sh.at[sidx_v.at[j]], buf, gsem).wait()

                @pl.when(j >= 2)
                def _():
                    pltpu.make_async_copy(
                        nbuf, acc_sh.at[didx_v.at[j - 2]], ssem).wait()

                @pl.when(j + 2 < NB)
                def _():
                    pltpu.async_copy(
                        table_sh.at[sidx_v.at[j + 2]], nbuf, gsem)

                pltpu.async_copy(buf, acc_sh.at[didx_v.at[j]], ssem,
                                 add=True)
            return carry

        lax.fori_loop(0, NB // 4, body, 0)
        pltpu.make_async_copy(r2, acc_sh.at[didx_v.at[NB - 2]], ssem).wait()
        pltpu.make_async_copy(r3, acc_sh.at[didx_v.at[NB - 1]], ssem).wait()
        plsc.subcore_barrier()

        @pl.when(cid == 0)
        def _():
            pltpu.sync_copy(acc_sh.at[pl.ds(row0, STRIPE)],
                            out0_hbm.at[pl.ds(row0, STRIPE)])

        @pl.when(cid == 1)
        def _():
            pltpu.sync_copy(acc_sh.at[pl.ds(row0, STRIPE)],
                            out1_hbm.at[pl.ds(row0, STRIPE)])

    return msgpass


_msg8 = _make_msgpass(D2)

DC = D_HID // 2
NB_ALL = E_PAD // (NS * CHUNK)


@functools.partial(
    pl.kernel,
    mesh=_mesh,
    out_type=[
        jax.ShapeDtypeStruct((N_PAD, DC), jnp.float32),
        jax.ShapeDtypeStruct((N_PAD, DC), jnp.float32),
    ],
    compiler_params=_sc_params,
    scratch_types=[
        pltpu.VMEM((NB_ALL, CHUNK), jnp.int32),
        pltpu.VMEM((NB_ALL, CHUNK), jnp.int32),
        pltpu.VMEM((CHUNK, DC), jnp.float32),
        pltpu.VMEM((CHUNK, DC), jnp.float32),
        pltpu.VMEM((CHUNK, DC), jnp.float32),
        pltpu.VMEM((CHUNK, DC), jnp.float32),
        pltpu.VMEM_SHARED((N_PAD, DC), jnp.float32),
        pltpu.VMEM_SHARED((N_PAD, DC), jnp.float32),
        pltpu.SemaphoreType.DMA,
        pltpu.SemaphoreType.DMA,
    ],
)
def _msg64c(src_hbm, dst_hbm, t0_hbm, t1_hbm, zeros_hbm, out0_hbm, out1_hbm,
            sidx_v, didx_v, r0, r1, r2, r3, acc_sh, table_sh, gsem, ssem):
    cid = lax.axis_index("c")
    sid = lax.axis_index("s")
    bufs = [r0, r1, r2, r3]
    STRIPE = N_PAD // NS
    row0 = sid * STRIPE
    chunk0 = sid * NB_ALL

    z = pltpu.async_copy(zeros_hbm.at[pl.ds(row0, STRIPE)],
                         acc_sh.at[pl.ds(row0, STRIPE)], ssem)

    @pl.when(cid == 0)
    def _():
        pltpu.async_copy(t0_hbm.at[pl.ds(row0, STRIPE)],
                         table_sh.at[pl.ds(row0, STRIPE)], ssem)

    @pl.when(cid == 1)
    def _():
        pltpu.async_copy(t1_hbm.at[pl.ds(row0, STRIPE)],
                         table_sh.at[pl.ds(row0, STRIPE)], ssem)

    s = pltpu.async_copy(src_hbm.at[pl.ds(chunk0, NB_ALL)], sidx_v, ssem)
    d = pltpu.async_copy(dst_hbm.at[pl.ds(chunk0, NB_ALL)], didx_v, ssem)
    z.wait()
    pltpu.make_async_copy(t0_hbm.at[pl.ds(row0, STRIPE)],
                          table_sh.at[pl.ds(row0, STRIPE)], ssem).wait()
    s.wait()
    d.wait()
    plsc.subcore_barrier()

    def run(out_hbm):
        pltpu.async_copy(table_sh.at[sidx_v.at[0]], r0, gsem)
        pltpu.async_copy(table_sh.at[sidx_v.at[1]], r1, gsem)

        def body(i, carry):
            j0 = i * 4
            for k in range(4):
                j = j0 + k
                buf = bufs[k]
                nbuf = bufs[(k + 2) % 4]
                pltpu.make_async_copy(
                    table_sh.at[sidx_v.at[j]], buf, gsem).wait()

                @pl.when(j >= 2)
                def _():
                    pltpu.make_async_copy(
                        nbuf, acc_sh.at[didx_v.at[j - 2]], ssem).wait()

                @pl.when(j + 2 < NB_ALL)
                def _():
                    pltpu.async_copy(
                        table_sh.at[sidx_v.at[j + 2]], nbuf, gsem)

                pltpu.async_copy(buf, acc_sh.at[didx_v.at[j]], ssem,
                                 add=True)
            return carry

        lax.fori_loop(0, NB_ALL // 4, body, 0)
        pltpu.make_async_copy(
            r2, acc_sh.at[didx_v.at[NB_ALL - 2]], ssem).wait()
        pltpu.make_async_copy(
            r3, acc_sh.at[didx_v.at[NB_ALL - 1]], ssem).wait()
        plsc.subcore_barrier()
        pltpu.sync_copy(acc_sh.at[pl.ds(row0, STRIPE)],
                        out_hbm.at[pl.ds(row0, STRIPE)])

    @pl.when(cid == 0)
    def _():
        run(out0_hbm)

    @pl.when(cid == 1)
    def _():
        run(out1_hbm)


def _tc1_body(hist_ref, x_ref, w1_ref, hsa_ref, hsb_ref, dinv_ref):
    deg = 1.0 + jnp.sum(hist_ref[...], axis=0)
    dinv = lax.rsqrt(deg)
    h = jnp.dot(x_ref[...], w1_ref[...], preferred_element_type=jnp.float32)
    hs = h * dinv[:, None]
    hsa_ref[...] = hs[:, :DC]
    hsb_ref[...] = hs[:, DC:]
    dinv_ref[...] = dinv


_tc1 = pl.pallas_call(
    _tc1_body,
    grid=(GRID,),
    in_specs=[
        pl.BlockSpec((NW, B), lambda i: (0, i)),
        pl.BlockSpec((B, D_IN), lambda i: (i, 0)),
        pl.BlockSpec((D_IN, D_HID), lambda i: (0, 0)),
    ],
    out_specs=[
        pl.BlockSpec((B, DC), lambda i: (i, 0)),
        pl.BlockSpec((B, DC), lambda i: (i, 0)),
        pl.BlockSpec((B,), lambda i: (i,)),
    ],
    out_shape=[
        jax.ShapeDtypeStruct((N_PAD, DC), jnp.float32),
        jax.ShapeDtypeStruct((N_PAD, DC), jnp.float32),
        jax.ShapeDtypeStruct((N_PAD,), jnp.float32),
    ],
)


def _tc2_body(a0_ref, a1_ref, hsa_ref, hsb_ref, dinv_ref, w2_ref, b1_ref,
              hs2_ref):
    dinv = dinv_ref[...][:, None]
    s = jnp.concatenate(
        [a0_ref[...] + hsa_ref[...], a1_ref[...] + hsb_ref[...]], axis=1)
    out1 = dinv * s + b1_ref[...]
    r = jnp.maximum(out1, 0.0)
    h2 = jnp.dot(r, w2_ref[...], preferred_element_type=jnp.float32)
    hs2_ref[...] = h2 * dinv


_tc2 = pl.pallas_call(
    _tc2_body,
    grid=(GRID,),
    in_specs=[
        pl.BlockSpec((B, DC), lambda i: (i, 0)),
        pl.BlockSpec((B, DC), lambda i: (i, 0)),
        pl.BlockSpec((B, DC), lambda i: (i, 0)),
        pl.BlockSpec((B, DC), lambda i: (i, 0)),
        pl.BlockSpec((B,), lambda i: (i,)),
        pl.BlockSpec((D_HID, D2), lambda i: (0, 0)),
        pl.BlockSpec((1, D_HID), lambda i: (0, 0)),
    ],
    out_specs=pl.BlockSpec((B, D2), lambda i: (i, 0)),
    out_shape=jax.ShapeDtypeStruct((N_PAD, D2), jnp.float32),
)


def _tc3_body(a0_ref, a1_ref, hs2_ref, dinv_ref, b2_ref, out_ref):
    dinv = dinv_ref[...][:, None]
    out_ref[...] = dinv * (a0_ref[...] + a1_ref[...] + hs2_ref[...]) + b2_ref[...]


_tc3 = pl.pallas_call(
    _tc3_body,
    grid=(GRID,),
    in_specs=[
        pl.BlockSpec((B, D2), lambda i: (i, 0)),
        pl.BlockSpec((B, D2), lambda i: (i, 0)),
        pl.BlockSpec((B, D2), lambda i: (i, 0)),
        pl.BlockSpec((B,), lambda i: (i,)),
        pl.BlockSpec((1, D2), lambda i: (0, 0)),
    ],
    out_specs=pl.BlockSpec((B, D2), lambda i: (i, 0)),
    out_shape=jax.ShapeDtypeStruct((N_PAD, D2), jnp.float32),
)


def kernel(x, edge_index, W1, b1, W2, b2):
    src = edge_index[0].astype(jnp.int32)
    dst = edge_index[1].astype(jnp.int32)
    pad = E_PAD - E
    src_p = jnp.concatenate([src, jnp.full((pad,), TRASH, jnp.int32)])
    dst_p = jnp.concatenate([dst, jnp.full((pad,), TRASH, jnp.int32)])
    x_p = jnp.pad(x, ((0, N_PAD - N), (0, 0)))
    w2_p = jnp.pad(W2, ((0, 0), (0, D2 - D_OUT)))
    b1_2d = b1.reshape(1, D_HID)
    b2_2d = jnp.pad(b2.reshape(1, D_OUT), ((0, 0), (0, D2 - D_OUT)))

    src_2d = src_p.reshape(NW * CHUNKS_PER_TILE, CHUNK)
    dst_2d = dst_p.reshape(NW * CHUNKS_PER_TILE, CHUNK)

    hist = _hist_sc(dst_p)
    hsa, hsb, dinv = _tc1(hist, x_p, W1)
    z32 = jnp.zeros((N_PAD, DC), jnp.float32)
    a0, a1 = _msg64c(src_2d, dst_2d, hsa, hsb, z32)
    hs2 = _tc2(a0, a1, hsa, hsb, dinv, w2_p, b1_2d)
    z8 = jnp.zeros((N_PAD, D2), jnp.float32)
    c0, c1 = _msg8(src_2d, dst_2d, hs2, z8)
    out = _tc3(c0, c1, hs2, dinv, b2_2d)
    return out[:N, :D_OUT]

# --- scband reference (transcript-rebuilt; emitter-appended) ---
"""Pipeline reference for scband-gcnnode-feature-82566451298886 (READ-ONLY COPY).

The authoritative reference and input builder live on the scoring server;
editing this copy changes nothing except your own understanding.
"""

import jax, jax.numpy as jnp
import numpy as np

N_NODES = 10000
N_EDGES = 320000
D_IN = 128
D_HID = 64
D_OUT = 5


def setup_inputs(seed: int = 0) -> dict:
    key = jax.random.key(seed)
    k1, k2, k3, k4, k5, k6 = jax.random.split(key, 6)
    x = jax.random.normal(k1, (N_NODES, D_IN), dtype=jnp.float32)
    edge_index = jax.random.randint(k2, (2, N_EDGES), 0, N_NODES, dtype=jnp.int64)
    # GCNConv layer params (glorot-style init for weights, zeros for bias)
    W1 = jax.random.normal(k3, (D_IN, D_HID), dtype=jnp.float32) * (1.0 / np.sqrt(D_IN))
    b1 = jnp.zeros((D_HID,), dtype=jnp.float32)
    W2 = jax.random.normal(k4, (D_HID, D_OUT), dtype=jnp.float32) * (1.0 / np.sqrt(D_HID))
    b2 = jnp.zeros((D_OUT,), dtype=jnp.float32)
    return {"x": x, "edge_index": edge_index, "W1": W1, "b1": b1, "W2": W2, "b2": b2}


def _gcn_conv(x, edge_index, W, b, num_nodes):
    # PyG GCNConv: add self-loops, symmetric normalization D^{-1/2}(A+I)D^{-1/2} X W + b
    loop = jnp.arange(num_nodes, dtype=edge_index.dtype)
    src = jnp.concatenate([edge_index[0], loop])
    dst = jnp.concatenate([edge_index[1], loop])
    deg = jnp.zeros((num_nodes,), dtype=x.dtype).at[dst].add(1.0)
    deg_inv_sqrt = jnp.where(deg > 0, 1.0 / jnp.sqrt(deg), 0.0)
    norm = deg_inv_sqrt[src] * deg_inv_sqrt[dst]
    h = x @ W
    msg = h[src] * norm[:, None]
    out = jnp.zeros((num_nodes, W.shape[1]), dtype=x.dtype).at[dst].add(msg)
    return out + b


def reference(x, edge_index, W1, b1, W2, b2):
    num_nodes = x.shape[0]
    h = _gcn_conv(x, edge_index, W1, b1, num_nodes)
    h = jax.nn.relu(h)
    out = _gcn_conv(h, edge_index, W2, b2, num_nodes)
    return out

if __name__ == "__main__":
    import jax
    _d = setup_inputs()
    print(jax.jit(kernel)(*tuple(_d.values())))

</pallas_src>

<mosaic_0001>
#map = affine_map<(d0, d1) -> (0, 0)>
module attributes {stable_mosaic.version = 14 : i64} {
  func.func @msgpass(%arg0: i32, %arg1: i32, %arg2: memref<2560x128xi32, #tpu.memory_space<hbm>>, %arg3: memref<2560x128xi32, #tpu.memory_space<hbm>>, %arg4: memref<10240x8xf32, #tpu.memory_space<hbm>>, %arg5: memref<10240x8xf32, #tpu.memory_space<hbm>>, %arg6: memref<10240x8xf32, #tpu.memory_space<hbm>>, %arg7: memref<10240x8xf32, #tpu.memory_space<hbm>>, %arg8: memref<80x128xi32, #tpu.memory_space<vmem>>, %arg9: memref<80x128xi32, #tpu.memory_space<vmem>>, %arg10: memref<128x8xf32, #tpu.memory_space<vmem>>, %arg11: memref<128x8xf32, #tpu.memory_space<vmem>>, %arg12: memref<128x8xf32, #tpu.memory_space<vmem>>, %arg13: memref<128x8xf32, #tpu.memory_space<vmem>>, %arg14: memref<10240x8xf32, #tpu.memory_space<vmem_shared>>, %arg15: memref<10240x8xf32, #tpu.memory_space<vmem_shared>>, %arg16: memref<!tpu.dma_semaphore, #tpu.memory_space<semaphore_mem>>, %arg17: memref<!tpu.dma_semaphore, #tpu.memory_space<semaphore_mem>>) attributes {dimension_semantics = [#tpu.dimension_semantics<core_parallel>, #tpu.dimension_semantics<subcore_parallel>], iteration_bounds = array<i64: 2, 16>, scalar_prefetch = 0 : i64, scratch_operands = 10 : i64, tpu.core_type = #tpu.core_type<sc_vector_subcore>, window_params = [{transform_indices = #map}, {transform_indices = #map}, {transform_indices = #map}, {transform_indices = #map}, {transform_indices = #map}, {transform_indices = #map}]} {
    %mul3A = arith.constant 640 : i32
    %mul3A_0 = arith.muli %arg1, %mul3A : i32
    %mul3A_1 = arith.constant 16 : i32
    %mul3A_2 = arith.muli %arg0, %mul3A_1 : i32
    %add3A = arith.addi %mul3A_2, %arg1 : i32
    %mul3A_3 = arith.constant 80 : i32
    %mul3A_4 = arith.muli %add3A, %mul3A_3 : i32
    %dma_start3A = arith.constant 0 : i32
    %dma_start3A_5 = tpu.memref_slice %arg14[%mul3A_0, %dma_start3A] : memref<10240x8xf32, #tpu.memory_space<vmem_shared>> -> memref<640x8xf32, #tpu.memory_space<vmem_shared>>
    %dma_start3A_6 = arith.constant 0 : i32
    %dma_start3A_7 = tpu.memref_slice %arg5[%mul3A_0, %dma_start3A_6] : memref<10240x8xf32, #tpu.memory_space<hbm>> -> memref<640x8xf32, #tpu.memory_space<hbm>>
    tpu.enqueue_dma source(%dma_start3A_7 : memref<640x8xf32, #tpu.memory_space<hbm>>) target(%dma_start3A_5 : memref<640x8xf32, #tpu.memory_space<vmem_shared>>) target_semaphore(%arg17 : memref<!tpu.dma_semaphore, #tpu.memory_space<semaphore_mem>>)
    %dma_start3A_8 = arith.constant 0 : i32
    %dma_start3A_9 = tpu.memref_slice %arg15[%mul3A_0, %dma_start3A_8] : memref<10240x8xf32, #tpu.memory_space<vmem_shared>> -> memref<640x8xf32, #tpu.memory_space<vmem_shared>>
    %dma_start3A_10 = arith.constant 0 : i32
    %dma_start3A_11 = tpu.memref_slice %arg4[%mul3A_0, %dma_start3A_10] : memref<10240x8xf32, #tpu.memory_space<hbm>> -> memref<640x8xf32, #tpu.memory_space<hbm>>
    tpu.enqueue_dma source(%dma_start3A_11 : memref<640x8xf32, #tpu.memory_space<hbm>>) target(%dma_start3A_9 : memref<640x8xf32, #tpu.memory_space<vmem_shared>>) target_semaphore(%arg17 : memref<!tpu.dma_semaphore, #tpu.memory_space<semaphore_mem>>)
    %dma_start3A_12 = arith.constant 0 : i32
    %dma_start3A_13 = tpu.memref_slice %arg2[%mul3A_4, %dma_start3A_12] : memref<2560x128xi32, #tpu.memory_space<hbm>> -> memref<80x128xi32, #tpu.memory_space<hbm>>
    %dma_start3A_14 = arith.constant 0 : i32
    %dma_start3A_15 = tpu.memref_slice %arg2[%mul3A_4, %dma_start3A_14] : memref<2560x128xi32, #tpu.memory_space<hbm>> -> memref<80x128xi32, #tpu.memory_space<hbm>>
    tpu.enqueue_dma source(%dma_start3A_15 : memref<80x128xi32, #tpu.memory_space<hbm>>) target(%arg8 : memref<80x128xi32, #tpu.memory_space<vmem>>) target_semaphore(%arg17 : memref<!tpu.dma_semaphore, #tpu.memory_space<semaphore_mem>>)
    %dma_start3A_16 = arith.constant 0 : i32
    %dma_start3A_17 = tpu.memref_slice %arg3[%mul3A_4, %dma_start3A_16] : memref<2560x128xi32, #tpu.memory_space<hbm>> -> memref<80x128xi32, #tpu.memory_space<hbm>>
    %dma_start3A_18 = arith.constant 0 : i32
    %dma_start3A_19 = tpu.memref_slice %arg3[%mul3A_4, %dma_start3A_18] : memref<2560x128xi32, #tpu.memory_space<hbm>> -> memref<80x128xi32, #tpu.memory_space<hbm>>
    tpu.enqueue_dma source(%dma_start3A_19 : memref<80x128xi32, #tpu.memory_space<hbm>>) target(%arg9 : memref<80x128xi32, #tpu.memory_space<vmem>>) target_semaphore(%arg17 : memref<!tpu.dma_semaphore, #tpu.memory_space<semaphore_mem>>)
    %dma_wait3A = arith.constant 0 : i32
    %dma_wait3A_20 = tpu.memref_slice %arg14[%mul3A_0, %dma_wait3A] : memref<10240x8xf32, #tpu.memory_space<vmem_shared>> -> memref<640x8xf32, #tpu.memory_space<vmem_shared>>
    %dma_wait3A_21 = arith.constant 0 : i32
    %dma_wait3A_22 = tpu.memref_slice %arg5[%mul3A_0, %dma_wait3A_21] : memref<10240x8xf32, #tpu.memory_space<hbm>> -> memref<640x8xf32, #tpu.memory_space<hbm>>
    tpu.wait_dma2 semaphore(%arg17 : memref<!tpu.dma_semaphore, #tpu.memory_space<semaphore_mem>>) src(%dma_wait3A_22 : memref<640x8xf32, #tpu.memory_space<hbm>>) dst(%dma_wait3A_20 : memref<640x8xf32, #tpu.memory_space<vmem_shared>>)
    %dma_wait3A_23 = arith.constant 0 : i32
    %dma_wait3A_24 = tpu.memref_slice %arg15[%mul3A_0, %dma_wait3A_23] : memref<10240x8xf32, #tpu.memory_space<vmem_shared>> -> memref<640x8xf32, #tpu.memory_space<vmem_shared>>
    %dma_wait3A_25 = arith.constant 0 : i32
    %dma_wait3A_26 = tpu.memref_slice %arg4[%mul3A_0, %dma_wait3A_25] : memref<10240x8xf32, #tpu.memory_space<hbm>> -> memref<640x8xf32, #tpu.memory_space<hbm>>
    tpu.wait_dma2 semaphore(%arg17 : memref<!tpu.dma_semaphore, #tpu.memory_space<semaphore_mem>>) src(%dma_wait3A_26 : memref<640x8xf32, #tpu.memory_space<hbm>>) dst(%dma_wait3A_24 : memref<640x8xf32, #tpu.memory_space<vmem_shared>>)
    %dma_wait3A_27 = arith.constant 0 : i32
    %dma_wait3A_28 = tpu.memref_slice %arg2[%mul3A_4, %dma_wait3A_27] : memref<2560x128xi32, #tpu.memory_space<hbm>> -> memref<80x128xi32, #tpu.memory_space<hbm>>
    %dma_wait3A_29 = arith.constant 0 : i32
    %dma_wait3A_30 = tpu.memref_slice %arg2[%mul3A_4, %dma_wait3A_29] : memref<2560x128xi32, #tpu.memory_space<hbm>> -> memref<80x128xi32, #tpu.memory_space<hbm>>
    tpu.wait_dma2 semaphore(%arg17 : memref<!tpu.dma_semaphore, #tpu.memory_space<semaphore_mem>>) src(%dma_wait3A_30 : memref<80x128xi32, #tpu.memory_space<hbm>>) dst(%arg8 : memref<80x128xi32, #tpu.memory_space<vmem>>)
    %dma_wait3A_31 = arith.constant 0 : i32
    %dma_wait3A_32 = tpu.memref_slice %arg3[%mul3A_4, %dma_wait3A_31] : memref<2560x128xi32, #tpu.memory_space<hbm>> -> memref<80x128xi32, #tpu.memory_space<hbm>>
    %dma_wait3A_33 = arith.constant 0 : i32
    %dma_wait3A_34 = tpu.memref_slice %arg3[%mul3A_4, %dma_wait3A_33] : memref<2560x128xi32, #tpu.memory_space<hbm>> -> memref<80x128xi32, #tpu.memory_space<hbm>>
    tpu.wait_dma2 semaphore(%arg17 : memref<!tpu.dma_semaphore, #tpu.memory_space<semaphore_mem>>) src(%dma_wait3A_34 : memref<80x128xi32, #tpu.memory_space<hbm>>) dst(%arg9 : memref<80x128xi32, #tpu.memory_space<vmem>>)
    %barrier3A = arith.constant 0 : index
    tpu.barrier barrier_id(%barrier3A)
    %dma_start3A_35 = arith.constant 0 : i32
    %dma_start3A_36 = arith.constant 0 : i32
    %dma_start3A_37 = tpu.memref_slice %arg8[%dma_start3A_35, %dma_start3A_36] : memref<80x128xi32, #tpu.memory_space<vmem>> -> memref<1x128xi32, #tpu.memory_space<vmem>>
    %dma_start3A_38 = tpu.memref_squeeze %dma_start3A_37 : memref<1x128xi32, #tpu.memory_space<vmem>> -> memref<128xi32, #tpu.memory_space<vmem>>
    %dma_start3A_39 = arith.constant 0 : i32
    %dma_start3A_40 = arith.constant 0 : i32
    %dma_start3A_41 = tpu.memref_slice %arg15[%dma_start3A_39, %dma_start3A_40] : memref<10240x8xf32, #tpu.memory_space<vmem_shared>> -> memref<10240x8xf32, #tpu.memory_space<vmem_shared>>
    tpu.enqueue_indirect_dma source(%dma_start3A_41 : memref<10240x8xf32, #tpu.memory_space<vmem_shared>>) target(%arg10 : memref<128x8xf32, #tpu.memory_space<vmem>>) offsets(%dma_start3A_38 : memref<128xi32, #tpu.memory_space<vmem>>) semaphore(%arg16 : memref<!tpu.dma_semaphore, #tpu.memory_space<semaphore_mem>>)
    %dma_start3A_42 = arith.constant 1 : i32
    %dma_start3A_43 = arith.constant 0 : i32
    %dma_start3A_44 = tpu.memref_slice %arg8[%dma_start3A_42, %dma_start3A_43] : memref<80x128xi32, #tpu.memory_space<vmem>> -> memref<1x128xi32, #tpu.memory_space<vmem>>
    %dma_start3A_45 = tpu.memref_squeeze %dma_start3A_44 : memref<1x128xi32, #tpu.memory_space<vmem>> -> memref<128xi32, #tpu.memory_space<vmem>>
    %dma_start3A_46 = arith.constant 0 : i32
    %dma_start3A_47 = arith.constant 0 : i32
    %dma_start3A_48 = tpu.memref_slice %arg15[%dma_start3A_46, %dma_start3A_47] : memref<10240x8xf32, #tpu.memory_space<vmem_shared>> -> memref<10240x8xf32, #tpu.memory_space<vmem_shared>>
    tpu.enqueue_indirect_dma source(%dma_start3A_48 : memref<10240x8xf32, #tpu.memory_space<vmem_shared>>) target(%arg11 : memref<128x8xf32, #tpu.memory_space<vmem>>) offsets(%dma_start3A_45 : memref<128xi32, #tpu.memory_space<vmem>>) semaphore(%arg16 : memref<!tpu.dma_semaphore, #tpu.memory_space<semaphore_mem>>)
    %scan3A = arith.constant 0 : i32
    %scan3A_49 = arith.constant 0 : i32
    %scan3A_50 = arith.constant 20 : i32
    %scan3A_51 = arith.addi %scan3A_49, %scan3A_50 : i32
    %scan3A_52 = arith.constant 1 : i32
    scf.for %scan3A_76 = %scan3A_49 to %scan3A_51 step %scan3A_52  : i32 {
      %mul3A_77 = arith.constant 4 : i32
      %mul3A_78 = arith.muli %scan3A_76, %mul3A_77 : i32
      %add3A_79 = arith.constant 0 : i32
      %add3A_80 = arith.addi %mul3A_78, %add3A_79 : i32
      %dma_wait3A_81 = arith.constant 0 : i32
      %dma_wait3A_82 = tpu.memref_slice %arg8[%add3A_80, %dma_wait3A_81] : memref<80x128xi32, #tpu.memory_space<vmem>> -> memref<1x128xi32, #tpu.memory_space<vmem>>
      %dma_wait3A_83 = tpu.memref_squeeze %dma_wait3A_82 : memref<1x128xi32, #tpu.memory_space<vmem>> -> memref<128xi32, #tpu.memory_space<vmem>>
      %dma_wait3A_84 = arith.constant 0 : i32
      %dma_wait3A_85 = arith.constant 0 : i32
      %dma_wait3A_86 = tpu.memref_slice %arg15[%dma_wait3A_84, %dma_wait3A_85] : memref<10240x8xf32, #tpu.memory_space<vmem_shared>> -> memref<10240x8xf32, #tpu.memory_space<vmem_shared>>
      tpu.wait_indirect_dma semaphore(%arg16 : memref<!tpu.dma_semaphore, #tpu.memory_space<semaphore_mem>>) src(%dma_wait3A_86 : memref<10240x8xf32, #tpu.memory_space<vmem_shared>>) dst(%arg10 : memref<128x8xf32, #tpu.memory_space<vmem>>)
      %ge3A = arith.constant 2 : i32
      %ge3A_87 = arith.cmpi sge, %add3A_80, %ge3A : i32
      %convert_element_type3A_88 = arith.extui %ge3A_87 : i1 to i32
      %cond3A_89 = arith.constant 0 : i32
      %cond3A_90 = arith.cmpi ne, %convert_element_type3A_88, %cond3A_89 : i32
      scf.if %cond3A_90 {
        %sub3A = arith.constant 2 : i32
        %sub3A_181 = arith.subi %add3A_80, %sub3A : i32
        %dma_wait3A_182 = arith.constant 0 : i32
        %dma_wait3A_183 = tpu.memref_slice %arg9[%sub3A_181, %dma_wait3A_182] : memref<80x128xi32, #tpu.memory_space<vmem>> -> memref<1x128xi32, #tpu.memory_space<vmem>>
        %dma_wait3A_184 = tpu.memref_squeeze %dma_wait3A_183 : memref<1x128xi32, #tpu.memory_space<vmem>> -> memref<128xi32, #tpu.memory_space<vmem>>
        %dma_wait3A_185 = arith.constant 0 : i32
        %dma_wait3A_186 = arith.constant 0 : i32
        %dma_wait3A_187 = tpu.memref_slice %arg14[%dma_wait3A_185, %dma_wait3A_186] : memref<10240x8xf32, #tpu.memory_space<vmem_shared>> -> memref<10240x8xf32, #tpu.memory_space<vmem_shared>>
        tpu.wait_indirect_dma semaphore(%arg17 : memref<!tpu.dma_semaphore, #tpu.memory_space<semaphore_mem>>) src(%arg12 : memref<128x8xf32, #tpu.memory_space<vmem>>) dst(%dma_wait3A_187 : memref<10240x8xf32, #tpu.memory_space<vmem_shared>>)
      } else {
      }
      %add3A_91 = arith.constant 2 : i32
      %add3A_92 = arith.addi %add3A_80, %add3A_91 : i32
      %lt3A = arith.constant 80 : i32
      %lt3A_93 = arith.cmpi slt, %add3A_92, %lt3A : i32
      %convert_element_type3A_94 = arith.extui %lt3A_93 : i1 to i32
      %cond3A_95 = arith.constant 0 : i32
      %cond3A_96 = arith.cmpi ne, %convert_element_type3A_94, %cond3A_95 : i32
      scf.if %cond3A_96 {
        %add3A_181 = arith.constant 2 : i32
        %add3A_182 = arith.addi %add3A_80, %add3A_181 : i32
        %dma_start3A_183 = arith.constant 0 : i32
        %dma_start3A_184 = tpu.memref_slice %arg8[%add3A_182, %dma_start3A_183] : memref<80x128xi32, #tpu.memory_space<vmem>> -> memref<1x128xi32, #tpu.memory_space<vmem>>
        %dma_start3A_185 = tpu.memref_squeeze %dma_start3A_184 : memref<1x128xi32, #tpu.memory_space<vmem>> -> memref<128xi32, #tpu.memory_space<vmem>>
        %dma_start3A_186 = arith.constant 0 : i32
        %dma_start3A_187 = arith.constant 0 : i32
        %dma_start3A_188 = tpu.memref_slice %arg15[%dma_start3A_186, %dma_start3A_187] : memref<10240x8xf32, #tpu.memory_space<vmem_shared>> -> memref<10240x8xf32, #tpu.memory_space<vmem_shared>>
        tpu.enqueue_indirect_dma source(%dma_start3A_188 : memref<10240x8xf32, #tpu.memory_space<vmem_shared>>) target(%arg12 : memref<128x8xf32, #tpu.memory_space<vmem>>) offsets(%dma_start3A_185 : memref<128xi32, #tpu.memory_space<vmem>>) semaphore(%arg16 : memref<!tpu.dma_semaphore, #tpu.memory_space<semaphore_mem>>)
      } else {
      }
      %dma_start3A_97 = arith.constant 0 : i32
      %dma_start3A_98 = tpu.memref_slice %arg9[%add3A_80, %dma_start3A_97] : memref<80x128xi32, #tpu.memory_space<vmem>> -> memref<1x128xi32, #tpu.memory_space<vmem>>
      %dma_start3A_99 = tpu.memref_squeeze %dma_start3A_98 : memref<1x128xi32, #tpu.memory_space<vmem>> -> memref<128xi32, #tpu.memory_space<vmem>>
      %dma_start3A_100 = arith.constant 0 : i32
      %dma_start3A_101 = arith.constant 0 : i32
      %dma_start3A_102 = tpu.memref_slice %arg14[%dma_start3A_100, %dma_start3A_101] : memref<10240x8xf32, #tpu.memory_space<vmem_shared>> -> memref<10240x8xf32, #tpu.memory_space<vmem_shared>>
      tpu.enqueue_indirect_dma source(%arg10 : memref<128x8xf32, #tpu.memory_space<vmem>>) target(%dma_start3A_102 : memref<10240x8xf32, #tpu.memory_space<vmem_shared>>) offsets(%dma_start3A_99 : memref<128xi32, #tpu.memory_space<vmem>>) semaphore(%arg17 : memref<!tpu.dma_semaphore, #tpu.memory_space<semaphore_mem>>) {add = true}
      %add3A_103 = arith.constant 1 : i32
      %add3A_104 = arith.addi %mul3A_78, %add3A_103 : i32
      %dma_wait3A_105 = arith.constant 0 : i32
      %dma_wait3A_106 = tpu.memref_slice %arg8[%add3A_104, %dma_wait3A_105] : memref<80x128xi32, #tpu.memory_space<vmem>> -> memref<1x128xi32, #tpu.memory_space<vmem>>
      %dma_wait3A_107 = tpu.memref_squeeze %dma_wait3A_106 : memref<1x128xi32, #tpu.memory_space<vmem>> -> memref<128xi32, #tpu.memory_space<vmem>>
      %dma_wait3A_108 = arith.constant 0 : i32
      %dma_wait3A_109 = arith.constant 0 : i32
      %dma_wait3A_110 = tpu.memref_slice %arg15[%dma_wait3A_108, %dma_wait3A_109] : memref<10240x8xf32, #tpu.memory_space<vmem_shared>> -> memref<10240x8xf32, #tpu.memory_space<vmem_shared>>
      tpu.wait_indirect_dma semaphore(%arg16 : memref<!tpu.dma_semaphore, #tpu.memory_space<semaphore_mem>>) src(%dma_wait3A_110 : memref<10240x8xf32, #tpu.memory_space<vmem_shared>>) dst(%arg11 : memref<128x8xf32, #tpu.memory_space<vmem>>)
      %ge3A_111 = arith.constant 2 : i32
      %ge3A_112 = arith.cmpi sge, %add3A_104, %ge3A_111 : i32
      %convert_element_type3A_113 = arith.extui %ge3A_112 : i1 to i32
      %cond3A_114 = arith.constant 0 : i32
      %cond3A_115 = arith.cmpi ne, %convert_element_type3A_113, %cond3A_114 : i32
      scf.if %cond3A_115 {
        %sub3A = arith.constant 2 : i32
        %sub3A_181 = arith.subi %add3A_104, %sub3A : i32
        %dma_wait3A_182 = arith.constant 0 : i32
        %dma_wait3A_183 = tpu.memref_slice %arg9[%sub3A_181, %dma_wait3A_182] : memref<80x128xi32, #tpu.memory_space<vmem>> -> memref<1x128xi32, #tpu.memory_space<vmem>>
        %dma_wait3A_184 = tpu.memref_squeeze %dma_wait3A_183 : memref<1x128xi32, #tpu.memory_space<vmem>> -> memref<128xi32, #tpu.memory_space<vmem>>
        %dma_wait3A_185 = arith.constant 0 : i32
        %dma_wait3A_186 = arith.constant 0 : i32
        %dma_wait3A_187 = tpu.memref_slice %arg14[%dma_wait3A_185, %dma_wait3A_186] : memref<10240x8xf32, #tpu.memory_space<vmem_shared>> -> memref<10240x8xf32, #tpu.memory_space<vmem_shared>>
        tpu.wait_indirect_dma semaphore(%arg17 : memref<!tpu.dma_semaphore, #tpu.memory_space<semaphore_mem>>) src(%arg13 : memref<128x8xf32, #tpu.memory_space<vmem>>) dst(%dma_wait3A_187 : memref<10240x8xf32, #tpu.memory_space<vmem_shared>>)
      } else {
      }
      %add3A_116 = arith.constant 2 : i32
      %add3A_117 = arith.addi %add3A_104, %add3A_116 : i32
      %lt3A_118 = arith.constant 80 : i32
      %lt3A_119 = arith.cmpi slt, %add3A_117, %lt3A_118 : i32
      %convert_element_type3A_120 = arith.extui %lt3A_119 : i1 to i32
      %cond3A_121 = arith.constant 0 : i32
      %cond3A_122 = arith.cmpi ne, %convert_element_type3A_120, %cond3A_121 : i32
      scf.if %cond3A_122 {
        %add3A_181 = arith.constant 2 : i32
        %add3A_182 = arith.addi %add3A_104, %add3A_181 : i32
        %dma_start3A_183 = arith.constant 0 : i32
        %dma_start3A_184 = tpu.memref_slice %arg8[%add3A_182, %dma_start3A_183] : memref<80x128xi32, #tpu.memory_space<vmem>> -> memref<1x128xi32, #tpu.memory_space<vmem>>
        %dma_start3A_185 = tpu.memref_squeeze %dma_start3A_184 : memref<1x128xi32, #tpu.memory_space<vmem>> -> memref<128xi32, #tpu.memory_space<vmem>>
        %dma_start3A_186 = arith.constant 0 : i32
        %dma_start3A_187 = arith.constant 0 : i32
        %dma_start3A_188 = tpu.memref_slice %arg15[%dma_start3A_186, %dma_start3A_187] : memref<10240x8xf32, #tpu.memory_space<vmem_shared>> -> memref<10240x8xf32, #tpu.memory_space<vmem_shared>>
        tpu.enqueue_indirect_dma source(%dma_start3A_188 : memref<10240x8xf32, #tpu.memory_space<vmem_shared>>) target(%arg13 : memref<128x8xf32, #tpu.memory_space<vmem>>) offsets(%dma_start3A_185 : memref<128xi32, #tpu.memory_space<vmem>>) semaphore(%arg16 : memref<!tpu.dma_semaphore, #tpu.memory_space<semaphore_mem>>)
      } else {
      }
      %dma_start3A_123 = arith.constant 0 : i32
      %dma_start3A_124 = tpu.memref_slice %arg9[%add3A_104, %dma_start3A_123] : memref<80x128xi32, #tpu.memory_space<vmem>> -> memref<1x128xi32, #tpu.memory_space<vmem>>
      %dma_start3A_125 = tpu.memref_squeeze %dma_start3A_124 : memref<1x128xi32, #tpu.memory_space<vmem>> -> memref<128xi32, #tpu.memory_space<vmem>>
      %dma_start3A_126 = arith.constant 0 : i32
      %dma_start3A_127 = arith.constant 0 : i32
      %dma_start3A_128 = tpu.memref_slice %arg14[%dma_start3A_126, %dma_start3A_127] : memref<10240x8xf32, #tpu.memory_space<vmem_shared>> -> memref<10240x8xf32, #tpu.memory_space<vmem_shared>>
      tpu.enqueue_indirect_dma source(%arg11 : memref<128x8xf32, #tpu.memory_space<vmem>>) target(%dma_start3A_128 : memref<10240x8xf32, #tpu.memory_space<vmem_shared>>) offsets(%dma_start3A_125 : memref<128xi32, #tpu.memory_space<vmem>>) semaphore(%arg17 : memref<!tpu.dma_semaphore, #tpu.memory_space<semaphore_mem>>) {add = true}
      %add3A_129 = arith.constant 2 : i32
      %add3A_130 = arith.addi %mul3A_78, %add3A_129 : i32
      %dma_wait3A_131 = arith.constant 0 : i32
      %dma_wait3A_132 = tpu.memref_slice %arg8[%add3A_130, %dma_wait3A_131] : memref<80x128xi32, #tpu.memory_space<vmem>> -> memref<1x128xi32, #tpu.memory_space<vmem>>
      %dma_wait3A_133 = tpu.memref_squeeze %dma_wait3A_132 : memref<1x128xi32, #tpu.memory_space<vmem>> -> memref<128xi32, #tpu.memory_space<vmem>>
      %dma_wait3A_134 = arith.constant 0 : i32
      %dma_wait3A_135 = arith.constant 0 : i32
      %dma_wait3A_136 = tpu.memref_slice %arg15[%dma_wait3A_134, %dma_wait3A_135] : memref<10240x8xf32, #tpu.memory_space<vmem_shared>> -> memref<10240x8xf32, #tpu.memory_space<vmem_shared>>
      tpu.wait_indirect_dma semaphore(%arg16 : memref<!tpu.dma_semaphore, #tpu.memory_space<semaphore_mem>>) src(%dma_wait3A_136 : memref<10240x8xf32, #tpu.memory_space<vmem_shared>>) dst(%arg12 : memref<128x8xf32, #tpu.memory_space<vmem>>)
      %ge3A_137 = arith.constant 2 : i32
      %ge3A_138 = arith.cmpi sge, %add3A_130, %ge3A_137 : i32
      %convert_element_type3A_139 = arith.extui %ge3A_138 : i1 to i32
      %cond3A_140 = arith.constant 0 : i32
      %cond3A_141 = arith.cmpi ne, %convert_element_type3A_139, %cond3A_140 : i32
      scf.if %cond3A_141 {
        %sub3A = arith.constant 2 : i32
        %sub3A_181 = arith.subi %add3A_130, %sub3A : i32
        %dma_wait3A_182 = arith.constant 0 : i32
        %dma_wait3A_183 = tpu.memref_slice %arg9[%sub3A_181, %dma_wait3A_182] : memref<80x128xi32, #tpu.memory_space<vmem>> -> memref<1x128xi32, #tpu.memory_space<vmem>>
        %dma_wait3A_184 = tpu.memref_squeeze %dma_wait3A_183 : memref<1x128xi32, #tpu.memory_space<vmem>> -> memref<128xi32, #tpu.memory_space<vmem>>
        %dma_wait3A_185 = arith.constant 0 : i32
        %dma_wait3A_186 = arith.constant 0 : i32
        %dma_wait3A_187 = tpu.memref_slice %arg14[%dma_wait3A_185, %dma_wait3A_186] : memref<10240x8xf32, #tpu.memory_space<vmem_shared>> -> memref<10240x8xf32, #tpu.memory_space<vmem_shared>>
        tpu.wait_indirect_dma semaphore(%arg17 : memref<!tpu.dma_semaphore, #tpu.memory_space<semaphore_mem>>) src(%arg10 : memref<128x8xf32, #tpu.memory_space<vmem>>) dst(%dma_wait3A_187 : memref<10240x8xf32, #tpu.memory_space<vmem_shared>>)
      } else {
      }
      %add3A_142 = arith.constant 2 : i32
      %add3A_143 = arith.addi %add3A_130, %add3A_142 : i32
      %lt3A_144 = arith.constant 80 : i32
      %lt3A_145 = arith.cmpi slt, %add3A_143, %lt3A_144 : i32
      %convert_element_type3A_146 = arith.extui %lt3A_145 : i1 to i32
      %cond3A_147 = arith.constant 0 : i32
      %cond3A_148 = arith.cmpi ne, %convert_element_type3A_146, %cond3A_147 : i32
      scf.if %cond3A_148 {
        %add3A_181 = arith.constant 2 : i32
        %add3A_182 = arith.addi %add3A_130, %add3A_181 : i32
        %dma_start3A_183 = arith.constant 0 : i32
        %dma_start3A_184 = tpu.memref_slice %arg8[%add3A_182, %dma_start3A_183] : memref<80x128xi32, #tpu.memory_space<vmem>> -> memref<1x128xi32, #tpu.memory_space<vmem>>
        %dma_start3A_185 = tpu.memref_squeeze %dma_start3A_184 : memref<1x128xi32, #tpu.memory_space<vmem>> -> memref<128xi32, #tpu.memory_space<vmem>>
        %dma_start3A_186 = arith.constant 0 : i32
        %dma_start3A_187 = arith.constant 0 : i32
        %dma_start3A_188 = tpu.memref_slice %arg15[%dma_start3A_186, %dma_start3A_187] : memref<10240x8xf32, #tpu.memory_space<vmem_shared>> -> memref<10240x8xf32, #tpu.memory_space<vmem_shared>>
        tpu.enqueue_indirect_dma source(%dma_start3A_188 : memref<10240x8xf32, #tpu.memory_space<vmem_shared>>) target(%arg10 : memref<128x8xf32, #tpu.memory_space<vmem>>) offsets(%dma_start3A_185 : memref<128xi32, #tpu.memory_space<vmem>>) semaphore(%arg16 : memref<!tpu.dma_semaphore, #tpu.memory_space<semaphore_mem>>)
      } else {
      }
      %dma_start3A_149 = arith.constant 0 : i32
      %dma_start3A_150 = tpu.memref_slice %arg9[%add3A_130, %dma_start3A_149] : memref<80x128xi32, #tpu.memory_space<vmem>> -> memref<1x128xi32, #tpu.memory_space<vmem>>
      %dma_start3A_151 = tpu.memref_squeeze %dma_start3A_150 : memref<1x128xi32, #tpu.memory_space<vmem>> -> memref<128xi32, #tpu.memory_space<vmem>>
      %dma_start3A_152 = arith.constant 0 : i32
      %dma_start3A_153 = arith.constant 0 : i32
      %dma_start3A_154 = tpu.memref_slice %arg14[%dma_start3A_152, %dma_start3A_153] : memref<10240x8xf32, #tpu.memory_space<vmem_shared>> -> memref<10240x8xf32, #tpu.memory_space<vmem_shared>>
      tpu.enqueue_indirect_dma source(%arg12 : memref<128x8xf32, #tpu.memory_space<vmem>>) target(%dma_start3A_154 : memref<10240x8xf32, #tpu.memory_space<vmem_shared>>) offsets(%dma_start3A_151 : memref<128xi32, #tpu.memory_space<vmem>>) semaphore(%arg17 : memref<!tpu.dma_semaphore, #tpu.memory_space<semaphore_mem>>) {add = true}
      %add3A_155 = arith.constant 3 : i32
      %add3A_156 = arith.addi %mul3A_78, %add3A_155 : i32
      %dma_wait3A_157 = arith.constant 0 : i32
      %dma_wait3A_158 = tpu.memref_slice %arg8[%add3A_156, %dma_wait3A_157] : memref<80x128xi32, #tpu.memory_space<vmem>> -> memref<1x128xi32, #tpu.memory_space<vmem>>
      %dma_wait3A_159 = tpu.memref_squeeze %dma_wait3A_158 : memref<1x128xi32, #tpu.memory_space<vmem>> -> memref<128xi32, #tpu.memory_space<vmem>>
      %dma_wait3A_160 = arith.constant 0 : i32
      %dma_wait3A_161 = arith.constant 0 : i32
      %dma_wait3A_162 = tpu.memref_slice %arg15[%dma_wait3A_160, %dma_wait3A_161] : memref<10240x8xf32, #tpu.memory_space<vmem_shared>> -> memref<10240x8xf32, #tpu.memory_space<vmem_shared>>
      tpu.wait_indirect_dma semaphore(%arg16 : memref<!tpu.dma_semaphore, #tpu.memory_space<semaphore_mem>>) src(%dma_wait3A_162 : memref<10240x8xf32, #tpu.memory_space<vmem_shared>>) dst(%arg13 : memref<128x8xf32, #tpu.memory_space<vmem>>)
      %ge3A_163 = arith.constant 2 : i32
      %ge3A_164 = arith.cmpi sge, %add3A_156, %ge3A_163 : i32
      %convert_element_type3A_165 = arith.extui %ge3A_164 : i1 to i32
      %cond3A_166 = arith.constant 0 : i32
      %cond3A_167 = arith.cmpi ne, %convert_element_type3A_165, %cond3A_166 : i32
      scf.if %cond3A_167 {
        %sub3A = arith.constant 2 : i32
        %sub3A_181 = arith.subi %add3A_156, %sub3A : i32
        %dma_wait3A_182 = arith.constant 0 : i32
        %dma_wait3A_183 = tpu.memref_slice %arg9[%sub3A_181, %dma_wait3A_182] : memref<80x128xi32, #tpu.memory_space<vmem>> -> memref<1x128xi32, #tpu.memory_space<vmem>>
        %dma_wait3A_184 = tpu.memref_squeeze %dma_wait3A_183 : memref<1x128xi32, #tpu.memory_space<vmem>> -> memref<128xi32, #tpu.memory_space<vmem>>
        %dma_wait3A_185 = arith.constant 0 : i32
        %dma_wait3A_186 = arith.constant 0 : i32
        %dma_wait3A_187 = tpu.memref_slice %arg14[%dma_wait3A_185, %dma_wait3A_186] : memref<10240x8xf32, #tpu.memory_space<vmem_shared>> -> memref<10240x8xf32, #tpu.memory_space<vmem_shared>>
        tpu.wait_indirect_dma semaphore(%arg17 : memref<!tpu.dma_semaphore, #tpu.memory_space<semaphore_mem>>) src(%arg11 : memref<128x8xf32, #tpu.memory_space<vmem>>) dst(%dma_wait3A_187 : memref<10240x8xf32, #tpu.memory_space<vmem_shared>>)
      } else {
      }
      %add3A_168 = arith.constant 2 : i32
      %add3A_169 = arith.addi %add3A_156, %add3A_168 : i32
      %lt3A_170 = arith.constant 80 : i32
      %lt3A_171 = arith.cmpi slt, %add3A_169, %lt3A_170 : i32
      %convert_element_type3A_172 = arith.extui %lt3A_171 : i1 to i32
      %cond3A_173 = arith.constant 0 : i32
      %cond3A_174 = arith.cmpi ne, %convert_element_type3A_172, %cond3A_173 : i32
      scf.if %cond3A_174 {
        %add3A_181 = arith.constant 2 : i32
        %add3A_182 = arith.addi %add3A_156, %add3A_181 : i32
        %dma_start3A_183 = arith.constant 0 : i32
        %dma_start3A_184 = tpu.memref_slice %arg8[%add3A_182, %dma_start3A_183] : memref<80x128xi32, #tpu.memory_space<vmem>> -> memref<1x128xi32, #tpu.memory_space<vmem>>
        %dma_start3A_185 = tpu.memref_squeeze %dma_start3A_184 : memref<1x128xi32, #tpu.memory_space<vmem>> -> memref<128xi32, #tpu.memory_space<vmem>>
        %dma_start3A_186 = arith.constant 0 : i32
        %dma_start3A_187 = arith.constant 0 : i32
        %dma_start3A_188 = tpu.memref_slice %arg15[%dma_start3A_186, %dma_start3A_187] : memref<10240x8xf32, #tpu.memory_space<vmem_shared>> -> memref<10240x8xf32, #tpu.memory_space<vmem_shared>>
        tpu.enqueue_indirect_dma source(%dma_start3A_188 : memref<10240x8xf32, #tpu.memory_space<vmem_shared>>) target(%arg11 : memref<128x8xf32, #tpu.memory_space<vmem>>) offsets(%dma_start3A_185 : memref<128xi32, #tpu.memory_space<vmem>>) semaphore(%arg16 : memref<!tpu.dma_semaphore, #tpu.memory_space<semaphore_mem>>)
      } else {
      }
      %dma_start3A_175 = arith.constant 0 : i32
      %dma_start3A_176 = tpu.memref_slice %arg9[%add3A_156, %dma_start3A_175] : memref<80x128xi32, #tpu.memory_space<vmem>> -> memref<1x128xi32, #tpu.memory_space<vmem>>
      %dma_start3A_177 = tpu.memref_squeeze %dma_start3A_176 : memref<1x128xi32, #tpu.memory_space<vmem>> -> memref<128xi32, #tpu.memory_space<vmem>>
      %dma_start3A_178 = arith.constant 0 : i32
      %dma_start3A_179 = arith.constant 0 : i32
      %dma_start3A_180 = tpu.memref_slice %arg14[%dma_start3A_178, %dma_start3A_179] : memref<10240x8xf32, #tpu.memory_space<vmem_shared>> -> memref<10240x8xf32, #tpu.memory_space<vmem_shared>>
      tpu.enqueue_indirect_dma source(%arg13 : memref<128x8xf32, #tpu.memory_space<vmem>>) target(%dma_start3A_180 : memref<10240x8xf32, #tpu.memory_space<vmem_shared>>) offsets(%dma_start3A_177 : memref<128xi32, #tpu.memory_space<vmem>>) semaphore(%arg17 : memref<!tpu.dma_semaphore, #tpu.memory_space<semaphore_mem>>) {add = true}
    }
    %scan3A_53 = arith.constant 20 : i32
    %dma_wait3A_54 = arith.constant 78 : i32
    %dma_wait3A_55 = arith.constant 0 : i32
    %dma_wait3A_56 = tpu.memref_slice %arg9[%dma_wait3A_54, %dma_wait3A_55] : memref<80x128xi32, #tpu.memory_space<vmem>> -> memref<1x128xi32, #tpu.memory_space<vmem>>
    %dma_wait3A_57 = tpu.memref_squeeze %dma_wait3A_56 : memref<1x128xi32, #tpu.memory_space<vmem>> -> memref<128xi32, #tpu.memory_space<vmem>>
    %dma_wait3A_58 = arith.constant 0 : i32
    %dma_wait3A_59 = arith.constant 0 : i32
    %dma_wait3A_60 = tpu.memref_slice %arg14[%dma_wait3A_58, %dma_wait3A_59] : memref<10240x8xf32, #tpu.memory_space<vmem_shared>> -> memref<10240x8xf32, #tpu.memory_space<vmem_shared>>
    tpu.wait_indirect_dma semaphore(%arg17 : memref<!tpu.dma_semaphore, #tpu.memory_space<semaphore_mem>>) src(%arg12 : memref<128x8xf32, #tpu.memory_space<vmem>>) dst(%dma_wait3A_60 : memref<10240x8xf32, #tpu.memory_space<vmem_shared>>)
    %dma_wait3A_61 = arith.constant 79 : i32
    %dma_wait3A_62 = arith.constant 0 : i32
    %dma_wait3A_63 = tpu.memref_slice %arg9[%dma_wait3A_61, %dma_wait3A_62] : memref<80x128xi32, #tpu.memory_space<vmem>> -> memref<1x128xi32, #tpu.memory_space<vmem>>
    %dma_wait3A_64 = tpu.memref_squeeze %dma_wait3A_63 : memref<1x128xi32, #tpu.memory_space<vmem>> -> memref<128xi32, #tpu.memory_space<vmem>>
    %dma_wait3A_65 = arith.constant 0 : i32
    %dma_wait3A_66 = arith.constant 0 : i32
    %dma_wait3A_67 = tpu.memref_slice %arg14[%dma_wait3A_65, %dma_wait3A_66] : memref<10240x8xf32, #tpu.memory_space<vmem_shared>> -> memref<10240x8xf32, #tpu.memory_space<vmem_shared>>
    tpu.wait_indirect_dma semaphore(%arg17 : memref<!tpu.dma_semaphore, #tpu.memory_space<semaphore_mem>>) src(%arg13 : memref<128x8xf32, #tpu.memory_space<vmem>>) dst(%dma_wait3A_67 : memref<10240x8xf32, #tpu.memory_space<vmem_shared>>)
    %barrier3A_68 = arith.constant 0 : index
    tpu.barrier barrier_id(%barrier3A_68)
    %eq3A = arith.constant 0 : i32
    %eq3A_69 = arith.cmpi eq, %arg0, %eq3A : i32
    %convert_element_type3A = arith.extui %eq3A_69 : i1 to i32
    %cond3A = arith.constant 0 : i32
    %cond3A_70 = arith.cmpi ne, %convert_element_type3A, %cond3A : i32
    scf.if %cond3A_70 {
      "tpu.region"() ({
        %run_scoped3A = tpu.sem_alloc : memref<!tpu.dma_semaphore, #tpu.memory_space<semaphore_mem>>
        %dma_start3A_76 = arith.constant 0 : i32
        %dma_start3A_77 = tpu.memref_slice %arg6[%mul3A_0, %dma_start3A_76] : memref<10240x8xf32, #tpu.memory_space<hbm>> -> memref<640x8xf32, #tpu.memory_space<hbm>>
        %dma_start3A_78 = arith.constant 0 : i32
        %dma_start3A_79 = tpu.memref_slice %arg14[%mul3A_0, %dma_start3A_78] : memref<10240x8xf32, #tpu.memory_space<vmem_shared>> -> memref<640x8xf32, #tpu.memory_space<vmem_shared>>
        tpu.enqueue_dma source(%dma_start3A_79 : memref<640x8xf32, #tpu.memory_space<vmem_shared>>) target(%dma_start3A_77 : memref<640x8xf32, #tpu.memory_space<hbm>>) target_semaphore(%run_scoped3A : memref<!tpu.dma_semaphore, #tpu.memory_space<semaphore_mem>>)
        %dma_wait3A_80 = arith.constant 0 : i32
        %dma_wait3A_81 = tpu.memref_slice %arg6[%mul3A_0, %dma_wait3A_80] : memref<10240x8xf32, #tpu.memory_space<hbm>> -> memref<640x8xf32, #tpu.memory_space<hbm>>
        %dma_wait3A_82 = arith.constant 0 : i32
        %dma_wait3A_83 = tpu.memref_slice %arg14[%mul3A_0, %dma_wait3A_82] : memref<10240x8xf32, #tpu.memory_space<vmem_shared>> -> memref<640x8xf32, #tpu.memory_space<vmem_shared>>
        tpu.wait_dma2 semaphore(%run_scoped3A : memref<!tpu.dma_semaphore, #tpu.memory_space<semaphore_mem>>) src(%dma_wait3A_83 : memref<640x8xf32, #tpu.memory_space<vmem_shared>>) dst(%dma_wait3A_81 : memref<640x8xf32, #tpu.memory_space<hbm>>)
        tpu.yield
      }) : () -> ()
    } else {
    }
    %eq3A_71 = arith.constant 1 : i32
    %eq3A_72 = arith.cmpi eq, %arg0, %eq3A_71 : i32
    %convert_element_type3A_73 = arith.extui %eq3A_72 : i1 to i32
    %cond3A_74 = arith.constant 0 : i32
    %cond3A_75 = arith.cmpi ne, %convert_element_type3A_73, %cond3A_74 : i32
    scf.if %cond3A_75 {
      "tpu.region"() ({
        %run_scoped3A = tpu.sem_alloc : memref<!tpu.dma_semaphore, #tpu.memory_space<semaphore_mem>>
        %dma_start3A_76 = arith.constant 0 : i32
        %dma_start3A_77 = tpu.memref_slice %arg7[%mul3A_0, %dma_start3A_76] : memref<10240x8xf32, #tpu.memory_space<hbm>> -> memref<640x8xf32, #tpu.memory_space<hbm>>
        %dma_start3A_78 = arith.constant 0 : i32
        %dma_start3A_79 = tpu.memref_slice %arg14[%mul3A_0, %dma_start3A_78] : memref<10240x8xf32, #tpu.memory_space<vmem_shared>> -> memref<640x8xf32, #tpu.memory_space<vmem_shared>>
        tpu.enqueue_dma source(%dma_start3A_79 : memref<640x8xf32, #tpu.memory_space<vmem_shared>>) target(%dma_start3A_77 : memref<640x8xf32, #tpu.memory_space<hbm>>) target_semaphore(%run_scoped3A : memref<!tpu.dma_semaphore, #tpu.memory_space<semaphore_mem>>)
        %dma_wait3A_80 = arith.constant 0 : i32
        %dma_wait3A_81 = tpu.memref_slice %arg7[%mul3A_0, %dma_wait3A_80] : memref<10240x8xf32, #tpu.memory_space<hbm>> -> memref<640x8xf32, #tpu.memory_space<hbm>>
        %dma_wait3A_82 = arith.constant 0 : i32
        %dma_wait3A_83 = tpu.memref_slice %arg14[%mul3A_0, %dma_wait3A_82] : memref<10240x8xf32, #tpu.memory_space<vmem_shared>> -> memref<640x8xf32, #tpu.memory_space<vmem_shared>>
        tpu.wait_dma2 semaphore(%run_scoped3A : memref<!tpu.dma_semaphore, #tpu.memory_space<semaphore_mem>>) src(%dma_wait3A_83 : memref<640x8xf32, #tpu.memory_space<vmem_shared>>) dst(%dma_wait3A_81 : memref<640x8xf32, #tpu.memory_space<hbm>>)
        tpu.yield
      }) : () -> ()
    } else {
    }
    return
  }
}

#map = affine_map<(d0, d1) -> (0)>
#map1 = affine_map<(d0, d1) -> (0, 0)>
module attributes {stable_mosaic.version = 14 : i64} {
  func.func @_hist_sc(%arg0: i32, %arg1: i32, %arg2: memref<327680xi32, #tpu.memory_space<hbm>>, %arg3: memref<32x10240xf32, #tpu.memory_space<hbm>>, %arg4: memref<10240xi32, #tpu.memory_space<vmem>>, %arg5: memref<10240xf32, #tpu.memory_space<vmem>>) attributes {dimension_semantics = [#tpu.dimension_semantics<core_parallel>, #tpu.dimension_semantics<subcore_parallel>], iteration_bounds = array<i64: 2, 16>, scalar_prefetch = 0 : i64, scratch_operands = 2 : i64, tpu.core_type = #tpu.core_type<sc_vector_subcore>, window_params = [{transform_indices = #map}, {transform_indices = #map1}]} {
    %mul3A = arith.constant 16 : i32
    %mul3A_0 = arith.muli %arg0, %mul3A : i32
    %add3A = arith.addi %mul3A_0, %arg1 : i32
    %mul3A_1 = arith.constant 10240 : i32
    %mul3A_2 = arith.muli %add3A, %mul3A_1 : i32
    "tpu.region"() ({
      %run_scoped3A = tpu.sem_alloc : memref<!tpu.dma_semaphore, #tpu.memory_space<semaphore_mem>>
      %dma_start3A = tpu.memref_slice %arg2[%mul3A_2] : memref<327680xi32, #tpu.memory_space<hbm>> -> memref<10240xi32, #tpu.memory_space<hbm>>
      %dma_start3A_15 = tpu.memref_slice %arg2[%mul3A_2] : memref<327680xi32, #tpu.memory_space<hbm>> -> memref<10240xi32, #tpu.memory_space<hbm>>
      tpu.enqueue_dma source(%dma_start3A_15 : memref<10240xi32, #tpu.memory_space<hbm>>) target(%arg4 : memref<10240xi32, #tpu.memory_space<vmem>>) target_semaphore(%run_scoped3A : memref<!tpu.dma_semaphore, #tpu.memory_space<semaphore_mem>>)
      %dma_wait3A = tpu.memref_slice %arg2[%mul3A_2] : memref<327680xi32, #tpu.memory_space<hbm>> -> memref<10240xi32, #tpu.memory_space<hbm>>
      %dma_wait3A_16 = tpu.memref_slice %arg2[%mul3A_2] : memref<327680xi32, #tpu.memory_space<hbm>> -> memref<10240xi32, #tpu.memory_space<hbm>>
      tpu.wait_dma2 semaphore(%run_scoped3A : memref<!tpu.dma_semaphore, #tpu.memory_space<semaphore_mem>>) src(%dma_wait3A_16 : memref<10240xi32, #tpu.memory_space<hbm>>) dst(%arg4 : memref<10240xi32, #tpu.memory_space<vmem>>)
      tpu.yield
    }) : () -> ()
    %scan3A = arith.constant 0 : i32
    %scan3A_3 = arith.constant 0 : i32
    %scan3A_4 = arith.constant 640 : i32
    %scan3A_5 = arith.addi %scan3A_3, %scan3A_4 : i32
    %scan3A_6 = arith.constant 1 : i32
    scf.for %scan3A_15 = %scan3A_3 to %scan3A_5 step %scan3A_6  : i32 {
      %broadcast_in_dim3A_16 = arith.constant 0.000000e+00 : f32
      %broadcast_in_dim3A_17 = vector.broadcast %broadcast_in_dim3A_16 : f32 to vector<16xf32>
      %mul3A_18 = arith.constant 16 : i32
      %mul3A_19 = arith.muli %scan3A_15, %mul3A_18 : i32
      %swap3A = arith.index_cast %mul3A_19 : i32 to index
      %swap3A_20 = tpu.vector_load %arg5[%swap3A] {strides = array<i32>} : memref<10240xf32, #tpu.memory_space<vmem>>, vector<16xf32>,
      tpu.vector_store %arg5[%swap3A], %broadcast_in_dim3A_17 {strides = array<i32>} : memref<10240xf32, #tpu.memory_space<vmem>>, vector<16xf32>,
    }
    %scan3A_7 = arith.constant 640 : i32
    %broadcast_in_dim3A = arith.constant 1.000000e+00 : f32
    %broadcast_in_dim3A_8 = vector.broadcast %broadcast_in_dim3A : f32 to vector<16xf32>
    %scan3A_9 = arith.constant 0 : i32
    %scan3A_10 = arith.constant 0 : i32
    %scan3A_11 = arith.constant 640 : i32
    %scan3A_12 = arith.addi %scan3A_10, %scan3A_11 : i32
    %scan3A_13 = arith.constant 1 : i32
    scf.for %scan3A_15 = %scan3A_10 to %scan3A_12 step %scan3A_13  : i32 {
      %mul3A_16 = arith.constant 16 : i32
      %mul3A_17 = arith.muli %scan3A_15, %mul3A_16 : i32
      %get3A = arith.index_cast %mul3A_17 : i32 to index
      %get3A_18 = tpu.vector_load %arg4[%get3A] {strides = array<i32>} : memref<10240xi32, #tpu.memory_space<vmem>>, vector<16xi32>,
      tpu.vector_store_idx %arg5[%get3A_18], %broadcast_in_dim3A_8 {add = true} : memref<10240xf32, #tpu.memory_space<vmem>>[vector<16xi32>], vector<16xf32>,
    }
    %scan3A_14 = arith.constant 640 : i32
    "tpu.region"() ({
      %run_scoped3A = tpu.sem_alloc : memref<!tpu.dma_semaphore, #tpu.memory_space<semaphore_mem>>
      %dma_start3A = arith.constant 0 : i32
      %dma_start3A_15 = tpu.memref_slice %arg3[%add3A, %dma_start3A] : memref<32x10240xf32, #tpu.memory_space<hbm>> -> memref<1x10240xf32, #tpu.memory_space<hbm>>
      %dma_start3A_16 = tpu.memref_squeeze %dma_start3A_15 : memref<1x10240xf32, #tpu.memory_space<hbm>> -> memref<10240xf32, #tpu.memory_space<hbm>>
      %dma_start3A_17 = arith.constant 0 : i32
      %dma_start3A_18 = tpu.memref_slice %arg3[%add3A, %dma_start3A_17] : memref<32x10240xf32, #tpu.memory_space<hbm>> -> memref<1x10240xf32, #tpu.memory_space<hbm>>
      %dma_start3A_19 = tpu.memref_squeeze %dma_start3A_18 : memref<1x10240xf32, #tpu.memory_space<hbm>> -> memref<10240xf32, #tpu.memory_space<hbm>>
      tpu.enqueue_dma source(%arg5 : memref<10240xf32, #tpu.memory_space<vmem>>) target(%dma_start3A_19 : memref<10240xf32, #tpu.memory_space<hbm>>) target_semaphore(%run_scoped3A : memref<!tpu.dma_semaphore, #tpu.memory_space<semaphore_mem>>)
      %dma_wait3A = arith.constant 0 : i32
      %dma_wait3A_20 = tpu.memref_slice %arg3[%add3A, %dma_wait3A] : memref<32x10240xf32, #tpu.memory_space<hbm>> -> memref<1x10240xf32, #tpu.memory_space<hbm>>
      %dma_wait3A_21 = tpu.memref_squeeze %dma_wait3A_20 : memref<1x10240xf32, #tpu.memory_space<hbm>> -> memref<10240xf32, #tpu.memory_space<hbm>>
      %dma_wait3A_22 = arith.constant 0 : i32
      %dma_wait3A_23 = tpu.memref_slice %arg3[%add3A, %dma_wait3A_22] : memref<32x10240xf32, #tpu.memory_space<hbm>> -> memref<1x10240xf32, #tpu.memory_space<hbm>>
      %dma_wait3A_24 = tpu.memref_squeeze %dma_wait3A_23 : memref<1x10240xf32, #tpu.memory_space<hbm>> -> memref<10240xf32, #tpu.memory_space<hbm>>
      tpu.wait_dma2 semaphore(%run_scoped3A : memref<!tpu.dma_semaphore, #tpu.memory_space<semaphore_mem>>) src(%arg5 : memref<10240xf32, #tpu.memory_space<vmem>>) dst(%dma_wait3A_24 : memref<10240xf32, #tpu.memory_space<hbm>>)
      tpu.yield
    }) : () -> ()
    return
  }
}

#map = affine_map<(d0, d1) -> (0, 0)>
module attributes {stable_mosaic.version = 14 : i64} {
  func.func @_msg64c(%arg0: i32, %arg1: i32, %arg2: memref<2560x128xi32, #tpu.memory_space<hbm>>, %arg3: memref<2560x128xi32, #tpu.memory_space<hbm>>, %arg4: memref<10240x32xf32, #tpu.memory_space<hbm>>, %arg5: memref<10240x32xf32, #tpu.memory_space<hbm>>, %arg6: memref<10240x32xf32, #tpu.memory_space<hbm>>, %arg7: memref<10240x32xf32, #tpu.memory_space<hbm>>, %arg8: memref<10240x32xf32, #tpu.memory_space<hbm>>, %arg9: memref<160x128xi32, #tpu.memory_space<vmem>>, %arg10: memref<160x128xi32, #tpu.memory_space<vmem>>, %arg11: memref<128x32xf32, #tpu.memory_space<vmem>>, %arg12: memref<128x32xf32, #tpu.memory_space<vmem>>, %arg13: memref<128x32xf32, #tpu.memory_space<vmem>>, %arg14: memref<128x32xf32, #tpu.memory_space<vmem>>, %arg15: memref<10240x32xf32, #tpu.memory_space<vmem_shared>>, %arg16: memref<10240x32xf32, #tpu.memory_space<vmem_shared>>, %arg17: memref<!tpu.dma_semaphore, #tpu.memory_space<semaphore_mem>>, %arg18: memref<!tpu.dma_semaphore, #tpu.memory_space<semaphore_mem>>) attributes {dimension_semantics = [#tpu.dimension_semantics<core_parallel>, #tpu.dimension_semantics<subcore_parallel>], iteration_bounds = array<i64: 2, 16>, scalar_prefetch = 0 : i64, scratch_operands = 10 : i64, tpu.core_type = #tpu.core_type<sc_vector_subcore>, window_params = [{transform_indices = #map}, {transform_indices = #map}, {transform_indices = #map}, {transform_indices = #map}, {transform_indices = #map}, {transform_indices = #map}, {transform_indices = #map}]} {
    %mul3A = arith.constant 640 : i32
    %mul3A_0 = arith.muli %arg1, %mul3A : i32
    %mul3A_1 = arith.constant 160 : i32
    %mul3A_2 = arith.muli %arg1, %mul3A_1 : i32
    %dma_start3A = arith.constant 0 : i32
    %dma_start3A_3 = tpu.memref_slice %arg15[%mul3A_0, %dma_start3A] : memref<10240x32xf32, #tpu.memory_space<vmem_shared>> -> memref<640x32xf32, #tpu.memory_space<vmem_shared>>
    %dma_start3A_4 = arith.constant 0 : i32
    %dma_start3A_5 = tpu.memref_slice %arg6[%mul3A_0, %dma_start3A_4] : memref<10240x32xf32, #tpu.memory_space<hbm>> -> memref<640x32xf32, #tpu.memory_space<hbm>>
    tpu.enqueue_dma source(%dma_start3A_5 : memref<640x32xf32, #tpu.memory_space<hbm>>) target(%dma_start3A_3 : memref<640x32xf32, #tpu.memory_space<vmem_shared>>) target_semaphore(%arg18 : memref<!tpu.dma_semaphore, #tpu.memory_space<semaphore_mem>>)
    %eq3A = arith.constant 0 : i32
    %eq3A_6 = arith.cmpi eq, %arg0, %eq3A : i32
    %convert_element_type3A = arith.extui %eq3A_6 : i1 to i32
    %cond3A = arith.constant 0 : i32
    %cond3A_7 = arith.cmpi ne, %convert_element_type3A, %cond3A : i32
    scf.if %cond3A_7 {
      %dma_start3A_46 = arith.constant 0 : i32
      %dma_start3A_47 = tpu.memref_slice %arg16[%mul3A_0, %dma_start3A_46] : memref<10240x32xf32, #tpu.memory_space<vmem_shared>> -> memref<640x32xf32, #tpu.memory_space<vmem_shared>>
      %dma_start3A_48 = arith.constant 0 : i32
      %dma_start3A_49 = tpu.memref_slice %arg4[%mul3A_0, %dma_start3A_48] : memref<10240x32xf32, #tpu.memory_space<hbm>> -> memref<640x32xf32, #tpu.memory_space<hbm>>
      tpu.enqueue_dma source(%dma_start3A_49 : memref<640x32xf32, #tpu.memory_space<hbm>>) target(%dma_start3A_47 : memref<640x32xf32, #tpu.memory_space<vmem_shared>>) target_semaphore(%arg18 : memref<!tpu.dma_semaphore, #tpu.memory_space<semaphore_mem>>)
    } else {
    }
    %eq3A_8 = arith.constant 1 : i32
    %eq3A_9 = arith.cmpi eq, %arg0, %eq3A_8 : i32
    %convert_element_type3A_10 = arith.extui %eq3A_9 : i1 to i32
    %cond3A_11 = arith.constant 0 : i32
    %cond3A_12 = arith.cmpi ne, %convert_element_type3A_10, %cond3A_11 : i32
    scf.if %cond3A_12 {
      %dma_start3A_46 = arith.constant 0 : i32
      %dma_start3A_47 = tpu.memref_slice %arg16[%mul3A_0, %dma_start3A_46] : memref<10240x32xf32, #tpu.memory_space<vmem_shared>> -> memref<640x32xf32, #tpu.memory_space<vmem_shared>>
      %dma_start3A_48 = arith.constant 0 : i32
      %dma_start3A_49 = tpu.memref_slice %arg5[%mul3A_0, %dma_start3A_48] : memref<10240x32xf32, #tpu.memory_space<hbm>> -> memref<640x32xf32, #tpu.memory_space<hbm>>
      tpu.enqueue_dma source(%dma_start3A_49 : memref<640x32xf32, #tpu.memory_space<hbm>>) target(%dma_start3A_47 : memref<640x32xf32, #tpu.memory_space<vmem_shared>>) target_semaphore(%arg18 : memref<!tpu.dma_semaphore, #tpu.memory_space<semaphore_mem>>)
    } else {
    }
    %dma_start3A_13 = arith.constant 0 : i32
    %dma_start3A_14 = tpu.memref_slice %arg2[%mul3A_2, %dma_start3A_13] : memref<2560x128xi32, #tpu.memory_space<hbm>> -> memref<160x128xi32, #tpu.memory_space<hbm>>
    %dma_start3A_15 = arith.constant 0 : i32
    %dma_start3A_16 = tpu.memref_slice %arg2[%mul3A_2, %dma_start3A_15] : memref<2560x128xi32, #tpu.memory_space<hbm>> -> memref<160x128xi32, #tpu.memory_space<hbm>>
    tpu.enqueue_dma source(%dma_start3A_16 : memref<160x128xi32, #tpu.memory_space<hbm>>) target(%arg9 : memref<160x128xi32, #tpu.memory_space<vmem>>) target_semaphore(%arg18 : memref<!tpu.dma_semaphore, #tpu.memory_space<semaphore_mem>>)
    %dma_start3A_17 = arith.constant 0 : i32
    %dma_start3A_18 = tpu.memref_slice %arg3[%mul3A_2, %dma_start3A_17] : memref<2560x128xi32, #tpu.memory_space<hbm>> -> memref<160x128xi32, #tpu.memory_space<hbm>>
    %dma_start3A_19 = arith.constant 0 : i32
    %dma_start3A_20 = tpu.memref_slice %arg3[%mul3A_2, %dma_start3A_19] : memref<2560x128xi32, #tpu.memory_space<hbm>> -> memref<160x128xi32, #tpu.memory_space<hbm>>
    tpu.enqueue_dma source(%dma_start3A_20 : memref<160x128xi32, #tpu.memory_space<hbm>>) target(%arg10 : memref<160x128xi32, #tpu.memory_space<vmem>>) target_semaphore(%arg18 : memref<!tpu.dma_semaphore, #tpu.memory_space<semaphore_mem>>)
    %dma_wait3A = arith.constant 0 : i32
    %dma_wait3A_21 = tpu.memref_slice %arg15[%mul3A_0, %dma_wait3A] : memref<10240x32xf32, #tpu.memory_space<vmem_shared>> -> memref<640x32xf32, #tpu.memory_space<vmem_shared>>
    %dma_wait3A_22 = arith.constant 0 : i32
    %dma_wait3A_23 = tpu.memref_slice %arg6[%mul3A_0, %dma_wait3A_22] : memref<10240x32xf32, #tpu.memory_space<hbm>> -> memref<640x32xf32, #tpu.memory_space<hbm>>
    tpu.wait_dma2 semaphore(%arg18 : memref<!tpu.dma_semaphore, #tpu.memory_space<semaphore_mem>>) src(%dma_wait3A_23 : memref<640x32xf32, #tpu.memory_space<hbm>>) dst(%dma_wait3A_21 : memref<640x32xf32, #tpu.memory_space<vmem_shared>>)
    %dma_wait3A_24 = arith.constant 0 : i32
    %dma_wait3A_25 = tpu.memref_slice %arg16[%mul3A_0, %dma_wait3A_24] : memref<10240x32xf32, #tpu.memory_space<vmem_shared>> -> memref<640x32xf32, #tpu.memory_space<vmem_shared>>
    %dma_wait3A_26 = arith.constant 0 : i32
    %dma_wait3A_27 = tpu.memref_slice %arg4[%mul3A_0, %dma_wait3A_26] : memref<10240x32xf32, #tpu.memory_space<hbm>> -> memref<640x32xf32, #tpu.memory_space<hbm>>
    tpu.wait_dma2 semaphore(%arg18 : memref<!tpu.dma_semaphore, #tpu.memory_space<semaphore_mem>>) src(%dma_wait3A_27 : memref<640x32xf32, #tpu.memory_space<hbm>>) dst(%dma_wait3A_25 : memref<640x32xf32, #tpu.memory_space<vmem_shared>>)
    %dma_wait3A_28 = arith.constant 0 : i32
    %dma_wait3A_29 = tpu.memref_slice %arg2[%mul3A_2, %dma_wait3A_28] : memref<2560x128xi32, #tpu.memory_space<hbm>> -> memref<160x128xi32, #tpu.memory_space<hbm>>
    %dma_wait3A_30 = arith.constant 0 : i32
    %dma_wait3A_31 = tpu.memref_slice %arg2[%mul3A_2, %dma_wait3A_30] : memref<2560x128xi32, #tpu.memory_space<hbm>> -> memref<160x128xi32, #tpu.memory_space<hbm>>
    tpu.wait_dma2 semaphore(%arg18 : memref<!tpu.dma_semaphore, #tpu.memory_space<semaphore_mem>>) src(%dma_wait3A_31 : memref<160x128xi32, #tpu.memory_space<hbm>>) dst(%arg9 : memref<160x128xi32, #tpu.memory_space<vmem>>)
    %dma_wait3A_32 = arith.constant 0 : i32
    %dma_wait3A_33 = tpu.memref_slice %arg3[%mul3A_2, %dma_wait3A_32] : memref<2560x128xi32, #tpu.memory_space<hbm>> -> memref<160x128xi32, #tpu.memory_space<hbm>>
    %dma_wait3A_34 = arith.constant 0 : i32
    %dma_wait3A_35 = tpu.memref_slice %arg3[%mul3A_2, %dma_wait3A_34] : memref<2560x128xi32, #tpu.memory_space<hbm>> -> memref<160x128xi32, #tpu.memory_space<hbm>>
    tpu.wait_dma2 semaphore(%arg18 : memref<!tpu.dma_semaphore, #tpu.memory_space<semaphore_mem>>) src(%dma_wait3A_35 : memref<160x128xi32, #tpu.memory_space<hbm>>) dst(%arg10 : memref<160x128xi32, #tpu.memory_space<vmem>>)
    %barrier3A = arith.constant 0 : index
    tpu.barrier barrier_id(%barrier3A)
    %eq3A_36 = arith.constant 0 : i32
    %eq3A_37 = arith.cmpi eq, %arg0, %eq3A_36 : i32
    %convert_element_type3A_38 = arith.extui %eq3A_37 : i1 to i32
    %cond3A_39 = arith.constant 0 : i32
    %cond3A_40 = arith.cmpi ne, %convert_element_type3A_38, %cond3A_39 : i32
    scf.if %cond3A_40 {
      %dma_start3A_46 = arith.constant 0 : i32
      %dma_start3A_47 = arith.constant 0 : i32
      %dma_start3A_48 = tpu.memref_slice %arg9[%dma_start3A_46, %dma_start3A_47] : memref<160x128xi32, #tpu.memory_space<vmem>> -> memref<1x128xi32, #tpu.memory_space<vmem>>
      %dma_start3A_49 = tpu.memref_squeeze %dma_start3A_48 : memref<1x128xi32, #tpu.memory_space<vmem>> -> memref<128xi32, #tpu.memory_space<vmem>>
      %dma_start3A_50 = arith.constant 0 : i32
      %dma_start3A_51 = arith.constant 0 : i32
      %dma_start3A_52 = tpu.memref_slice %arg16[%dma_start3A_50, %dma_start3A_51] : memref<10240x32xf32, #tpu.memory_space<vmem_shared>> -> memref<10240x32xf32, #tpu.memory_space<vmem_shared>>
      tpu.enqueue_indirect_dma source(%dma_start3A_52 : memref<10240x32xf32, #tpu.memory_space<vmem_shared>>) target(%arg11 : memref<128x32xf32, #tpu.memory_space<vmem>>) offsets(%dma_start3A_49 : memref<128xi32, #tpu.memory_space<vmem>>) semaphore(%arg17 : memref<!tpu.dma_semaphore, #tpu.memory_space<semaphore_mem>>)
      %dma_start3A_53 = arith.constant 1 : i32
      %dma_start3A_54 = arith.constant 0 : i32
      %dma_start3A_55 = tpu.memref_slice %arg9[%dma_start3A_53, %dma_start3A_54] : memref<160x128xi32, #tpu.memory_space<vmem>> -> memref<1x128xi32, #tpu.memory_space<vmem>>
      %dma_start3A_56 = tpu.memref_squeeze %dma_start3A_55 : memref<1x128xi32, #tpu.memory_space<vmem>> -> memref<128xi32, #tpu.memory_space<vmem>>
      %dma_start3A_57 = arith.constant 0 : i32
      %dma_start3A_58 = arith.constant 0 : i32
      %dma_start3A_59 = tpu.memref_slice %arg16[%dma_start3A_57, %dma_start3A_58] : memref<10240x32xf32, #tpu.memory_space<vmem_shared>> -> memref<10240x32xf32, #tpu.memory_space<vmem_shared>>
      tpu.enqueue_indirect_dma source(%dma_start3A_59 : memref<10240x32xf32, #tpu.memory_space<vmem_shared>>) target(%arg12 : memref<128x32xf32, #tpu.memory_space<vmem>>) offsets(%dma_start3A_56 : memref<128xi32, #tpu.memory_space<vmem>>) semaphore(%arg17 : memref<!tpu.dma_semaphore, #tpu.memory_space<semaphore_mem>>)
      %scan3A = arith.constant 0 : i32
      %scan3A_60 = arith.constant 0 : i32
      %scan3A_61 = arith.constant 40 : i32
      %scan3A_62 = arith.addi %scan3A_60, %scan3A_61 : i32
      %scan3A_63 = arith.constant 1 : i32
      scf.for %scan3A_80 = %scan3A_60 to %scan3A_62 step %scan3A_63  : i32 {
        %mul3A_81 = arith.constant 4 : i32
        %mul3A_82 = arith.muli %scan3A_80, %mul3A_81 : i32
        %add3A = arith.constant 0 : i32
        %add3A_83 = arith.addi %mul3A_82, %add3A : i32
        %dma_wait3A_84 = arith.constant 0 : i32
        %dma_wait3A_85 = tpu.memref_slice %arg9[%add3A_83, %dma_wait3A_84] : memref<160x128xi32, #tpu.memory_space<vmem>> -> memref<1x128xi32, #tpu.memory_space<vmem>>
        %dma_wait3A_86 = tpu.memref_squeeze %dma_wait3A_85 : memref<1x128xi32, #tpu.memory_space<vmem>> -> memref<128xi32, #tpu.memory_space<vmem>>
        %dma_wait3A_87 = arith.constant 0 : i32
        %dma_wait3A_88 = arith.constant 0 : i32
        %dma_wait3A_89 = tpu.memref_slice %arg16[%dma_wait3A_87, %dma_wait3A_88] : memref<10240x32xf32, #tpu.memory_space<vmem_shared>> -> memref<10240x32xf32, #tpu.memory_space<vmem_shared>>
        tpu.wait_indirect_dma semaphore(%arg17 : memref<!tpu.dma_semaphore, #tpu.memory_space<semaphore_mem>>) src(%dma_wait3A_89 : memref<10240x32xf32, #tpu.memory_space<vmem_shared>>) dst(%arg11 : memref<128x32xf32, #tpu.memory_space<vmem>>)
        %ge3A = arith.constant 2 : i32
        %ge3A_90 = arith.cmpi sge, %add3A_83, %ge3A : i32
        %convert_element_type3A_91 = arith.extui %ge3A_90 : i1 to i32
        %cond3A_92 = arith.constant 0 : i32
        %cond3A_93 = arith.cmpi ne, %convert_element_type3A_91, %cond3A_92 : i32
        scf.if %cond3A_93 {
          %sub3A = arith.constant 2 : i32
          %sub3A_184 = arith.subi %add3A_83, %sub3A : i32
          %dma_wait3A_185 = arith.constant 0 : i32
          %dma_wait3A_186 = tpu.memref_slice %arg10[%sub3A_184, %dma_wait3A_185] : memref<160x128xi32, #tpu.memory_space<vmem>> -> memref<1x128xi32, #tpu.memory_space<vmem>>
          %dma_wait3A_187 = tpu.memref_squeeze %dma_wait3A_186 : memref<1x128xi32, #tpu.memory_space<vmem>> -> memref<128xi32, #tpu.memory_space<vmem>>
          %dma_wait3A_188 = arith.constant 0 : i32
          %dma_wait3A_189 = arith.constant 0 : i32
          %dma_wait3A_190 = tpu.memref_slice %arg15[%dma_wait3A_188, %dma_wait3A_189] : memref<10240x32xf32, #tpu.memory_space<vmem_shared>> -> memref<10240x32xf32, #tpu.memory_space<vmem_shared>>
          tpu.wait_indirect_dma semaphore(%arg18 : memref<!tpu.dma_semaphore, #tpu.memory_space<semaphore_mem>>) src(%arg13 : memref<128x32xf32, #tpu.memory_space<vmem>>) dst(%dma_wait3A_190 : memref<10240x32xf32, #tpu.memory_space<vmem_shared>>)
        } else {
        }
        %add3A_94 = arith.constant 2 : i32
        %add3A_95 = arith.addi %add3A_83, %add3A_94 : i32
        %lt3A = arith.constant 160 : i32
        %lt3A_96 = arith.cmpi slt, %add3A_95, %lt3A : i32
        %convert_element_type3A_97 = arith.extui %lt3A_96 : i1 to i32
        %cond3A_98 = arith.constant 0 : i32
        %cond3A_99 = arith.cmpi ne, %convert_element_type3A_97, %cond3A_98 : i32
        scf.if %cond3A_99 {
          %add3A_184 = arith.constant 2 : i32
          %add3A_185 = arith.addi %add3A_83, %add3A_184 : i32
          %dma_start3A_186 = arith.constant 0 : i32
          %dma_start3A_187 = tpu.memref_slice %arg9[%add3A_185, %dma_start3A_186] : memref<160x128xi32, #tpu.memory_space<vmem>> -> memref<1x128xi32, #tpu.memory_space<vmem>>
          %dma_start3A_188 = tpu.memref_squeeze %dma_start3A_187 : memref<1x128xi32, #tpu.memory_space<vmem>> -> memref<128xi32, #tpu.memory_space<vmem>>
          %dma_start3A_189 = arith.constant 0 : i32
          %dma_start3A_190 = arith.constant 0 : i32
          %dma_start3A_191 = tpu.memref_slice %arg16[%dma_start3A_189, %dma_start3A_190] : memref<10240x32xf32, #tpu.memory_space<vmem_shared>> -> memref<10240x32xf32, #tpu.memory_space<vmem_shared>>
          tpu.enqueue_indirect_dma source(%dma_start3A_191 : memref<10240x32xf32, #tpu.memory_space<vmem_shared>>) target(%arg13 : memref<128x32xf32, #tpu.memory_space<vmem>>) offsets(%dma_start3A_188 : memref<128xi32, #tpu.memory_space<vmem>>) semaphore(%arg17 : memref<!tpu.dma_semaphore, #tpu.memory_space<semaphore_mem>>)
        } else {
        }
        %dma_start3A_100 = arith.constant 0 : i32
        %dma_start3A_101 = tpu.memref_slice %arg10[%add3A_83, %dma_start3A_100] : memref<160x128xi32, #tpu.memory_space<vmem>> -> memref<1x128xi32, #tpu.memory_space<vmem>>
        %dma_start3A_102 = tpu.memref_squeeze %dma_start3A_101 : memref<1x128xi32, #tpu.memory_space<vmem>> -> memref<128xi32, #tpu.memory_space<vmem>>
        %dma_start3A_103 = arith.constant 0 : i32
        %dma_start3A_104 = arith.constant 0 : i32
        %dma_start3A_105 = tpu.memref_slice %arg15[%dma_start3A_103, %dma_start3A_104] : memref<10240x32xf32, #tpu.memory_space<vmem_shared>> -> memref<10240x32xf32, #tpu.memory_space<vmem_shared>>
        tpu.enqueue_indirect_dma source(%arg11 : memref<128x32xf32, #tpu.memory_space<vmem>>) target(%dma_start3A_105 : memref<10240x32xf32, #tpu.memory_space<vmem_shared>>) offsets(%dma_start3A_102 : memref<128xi32, #tpu.memory_space<vmem>>) semaphore(%arg18 : memref<!tpu.dma_semaphore, #tpu.memory_space<semaphore_mem>>) {add = true}
        %add3A_106 = arith.constant 1 : i32
        %add3A_107 = arith.addi %mul3A_82, %add3A_106 : i32
        %dma_wait3A_108 = arith.constant 0 : i32
        %dma_wait3A_109 = tpu.memref_slice %arg9[%add3A_107, %dma_wait3A_108] : memref<160x128xi32, #tpu.memory_space<vmem>> -> memref<1x128xi32, #tpu.memory_space<vmem>>
        %dma_wait3A_110 = tpu.memref_squeeze %dma_wait3A_109 : memref<1x128xi32, #tpu.memory_space<vmem>> -> memref<128xi32, #tpu.memory_space<vmem>>
        %dma_wait3A_111 = arith.constant 0 : i32
        %dma_wait3A_112 = arith.constant 0 : i32
        %dma_wait3A_113 = tpu.memref_slice %arg16[%dma_wait3A_111, %dma_wait3A_112] : memref<10240x32xf32, #tpu.memory_space<vmem_shared>> -> memref<10240x32xf32, #tpu.memory_space<vmem_shared>>
        tpu.wait_indirect_dma semaphore(%arg17 : memref<!tpu.dma_semaphore, #tpu.memory_space<semaphore_mem>>) src(%dma_wait3A_113 : memref<10240x32xf32, #tpu.memory_space<vmem_shared>>) dst(%arg12 : memref<128x32xf32, #tpu.memory_space<vmem>>)
        %ge3A_114 = arith.constant 2 : i32
        %ge3A_115 = arith.cmpi sge, %add3A_107, %ge3A_114 : i32
        %convert_element_type3A_116 = arith.extui %ge3A_115 : i1 to i32
        %cond3A_117 = arith.constant 0 : i32
        %cond3A_118 = arith.cmpi ne, %convert_element_type3A_116, %cond3A_117 : i32
        scf.if %cond3A_118 {
          %sub3A = arith.constant 2 : i32
          %sub3A_184 = arith.subi %add3A_107, %sub3A : i32
          %dma_wait3A_185 = arith.constant 0 : i32
          %dma_wait3A_186 = tpu.memref_slice %arg10[%sub3A_184, %dma_wait3A_185] : memref<160x128xi32, #tpu.memory_space<vmem>> -> memref<1x128xi32, #tpu.memory_space<vmem>>
          %dma_wait3A_187 = tpu.memref_squeeze %dma_wait3A_186 : memref<1x128xi32, #tpu.memory_space<vmem>> -> memref<128xi32, #tpu.memory_space<vmem>>
          %dma_wait3A_188 = arith.constant 0 : i32
          %dma_wait3A_189 = arith.constant 0 : i32
          %dma_wait3A_190 = tpu.memref_slice %arg15[%dma_wait3A_188, %dma_wait3A_189] : memref<10240x32xf32, #tpu.memory_space<vmem_shared>> -> memref<10240x32xf32, #tpu.memory_space<vmem_shared>>
          tpu.wait_indirect_dma semaphore(%arg18 : memref<!tpu.dma_semaphore, #tpu.memory_space<semaphore_mem>>) src(%arg14 : memref<128x32xf32, #tpu.memory_space<vmem>>) dst(%dma_wait3A_190 : memref<10240x32xf32, #tpu.memory_space<vmem_shared>>)
        } else {
        }
        %add3A_119 = arith.constant 2 : i32
        %add3A_120 = arith.addi %add3A_107, %add3A_119 : i32
        %lt3A_121 = arith.constant 160 : i32
        %lt3A_122 = arith.cmpi slt, %add3A_120, %lt3A_121 : i32
        %convert_element_type3A_123 = arith.extui %lt3A_122 : i1 to i32
        %cond3A_124 = arith.constant 0 : i32
        %cond3A_125 = arith.cmpi ne, %convert_element_type3A_123, %cond3A_124 : i32
        scf.if %cond3A_125 {
          %add3A_184 = arith.constant 2 : i32
          %add3A_185 = arith.addi %add3A_107, %add3A_184 : i32
          %dma_start3A_186 = arith.constant 0 : i32
          %dma_start3A_187 = tpu.memref_slice %arg9[%add3A_185, %dma_start3A_186] : memref<160x128xi32, #tpu.memory_space<vmem>> -> memref<1x128xi32, #tpu.memory_space<vmem>>
          %dma_start3A_188 = tpu.memref_squeeze %dma_start3A_187 : memref<1x128xi32, #tpu.memory_space<vmem>> -> memref<128xi32, #tpu.memory_space<vmem>>
          %dma_start3A_189 = arith.constant 0 : i32
          %dma_start3A_190 = arith.constant 0 : i32
          %dma_start3A_191 = tpu.memref_slice %arg16[%dma_start3A_189, %dma_start3A_190] : memref<10240x32xf32, #tpu.memory_space<vmem_shared>> -> memref<10240x32xf32, #tpu.memory_space<vmem_shared>>
          tpu.enqueue_indirect_dma source(%dma_start3A_191 : memref<10240x32xf32, #tpu.memory_space<vmem_shared>>) target(%arg14 : memref<128x32xf32, #tpu.memory_space<vmem>>) offsets(%dma_start3A_188 : memref<128xi32, #tpu.memory_space<vmem>>) semaphore(%arg17 : memref<!tpu.dma_semaphore, #tpu.memory_space<semaphore_mem>>)
        } else {
        }
        %dma_start3A_126 = arith.constant 0 : i32
        %dma_start3A_127 = tpu.memref_slice %arg10[%add3A_107, %dma_start3A_126] : memref<160x128xi32, #tpu.memory_space<vmem>> -> memref<1x128xi32, #tpu.memory_space<vmem>>
        %dma_start3A_128 = tpu.memref_squeeze %dma_start3A_127 : memref<1x128xi32, #tpu.memory_space<vmem>> -> memref<128xi32, #tpu.memory_space<vmem>>
        %dma_start3A_129 = arith.constant 0 : i32
        %dma_start3A_130 = arith.constant 0 : i32
        %dma_start3A_131 = tpu.memref_slice %arg15[%dma_start3A_129, %dma_start3A_130] : memref<10240x32xf32, #tpu.memory_space<vmem_shared>> -> memref<10240x32xf32, #tpu.memory_space<vmem_shared>>
        tpu.enqueue_indirect_dma source(%arg12 : memref<128x32xf32, #tpu.memory_space<vmem>>) target(%dma_start3A_131 : memref<10240x32xf32, #tpu.memory_space<vmem_shared>>) offsets(%dma_start3A_128 : memref<128xi32, #tpu.memory_space<vmem>>) semaphore(%arg18 : memref<!tpu.dma_semaphore, #tpu.memory_space<semaphore_mem>>) {add = true}
        %add3A_132 = arith.constant 2 : i32
        %add3A_133 = arith.addi %mul3A_82, %add3A_132 : i32
        %dma_wait3A_134 = arith.constant 0 : i32
        %dma_wait3A_135 = tpu.memref_slice %arg9[%add3A_133, %dma_wait3A_134] : memref<160x128xi32, #tpu.memory_space<vmem>> -> memref<1x128xi32, #tpu.memory_space<vmem>>
        %dma_wait3A_136 = tpu.memref_squeeze %dma_wait3A_135 : memref<1x128xi32, #tpu.memory_space<vmem>> -> memref<128xi32, #tpu.memory_space<vmem>>
        %dma_wait3A_137 = arith.constant 0 : i32
        %dma_wait3A_138 = arith.constant 0 : i32
        %dma_wait3A_139 = tpu.memref_slice %arg16[%dma_wait3A_137, %dma_wait3A_138] : memref<10240x32xf32, #tpu.memory_space<vmem_shared>> -> memref<10240x32xf32, #tpu.memory_space<vmem_shared>>
        tpu.wait_indirect_dma semaphore(%arg17 : memref<!tpu.dma_semaphore, #tpu.memory_space<semaphore_mem>>) src(%dma_wait3A_139 : memref<10240x32xf32, #tpu.memory_space<vmem_shared>>) dst(%arg13 : memref<128x32xf32, #tpu.memory_space<vmem>>)
        %ge3A_140 = arith.constant 2 : i32
        %ge3A_141 = arith.cmpi sge, %add3A_133, %ge3A_140 : i32
        %convert_element_type3A_142 = arith.extui %ge3A_141 : i1 to i32
        %cond3A_143 = arith.constant 0 : i32
        %cond3A_144 = arith.cmpi ne, %convert_element_type3A_142, %cond3A_143 : i32
        scf.if %cond3A_144 {
          %sub3A = arith.constant 2 : i32
          %sub3A_184 = arith.subi %add3A_133, %sub3A : i32
          %dma_wait3A_185 = arith.constant 0 : i32
          %dma_wait3A_186 = tpu.memref_slice %arg10[%sub3A_184, %dma_wait3A_185] : memref<160x128xi32, #tpu.memory_space<vmem>> -> memref<1x128xi32, #tpu.memory_space<vmem>>
          %dma_wait3A_187 = tpu.memref_squeeze %dma_wait3A_186 : memref<1x128xi32, #tpu.memory_space<vmem>> -> memref<128xi32, #tpu.memory_space<vmem>>
          %dma_wait3A_188 = arith.constant 0 : i32
          %dma_wait3A_189 = arith.constant 0 : i32
          %dma_wait3A_190 = tpu.memref_slice %arg15[%dma_wait3A_188, %dma_wait3A_189] : memref<10240x32xf32, #tpu.memory_space<vmem_shared>> -> memref<10240x32xf32, #tpu.memory_space<vmem_shared>>
          tpu.wait_indirect_dma semaphore(%arg18 : memref<!tpu.dma_semaphore, #tpu.memory_space<semaphore_mem>>) src(%arg11 : memref<128x32xf32, #tpu.memory_space<vmem>>) dst(%dma_wait3A_190 : memref<10240x32xf32, #tpu.memory_space<vmem_shared>>)
        } else {
        }
        %add3A_145 = arith.constant 2 : i32
        %add3A_146 = arith.addi %add3A_133, %add3A_145 : i32
        %lt3A_147 = arith.constant 160 : i32
        %lt3A_148 = arith.cmpi slt, %add3A_146, %lt3A_147 : i32
        %convert_element_type3A_149 = arith.extui %lt3A_148 : i1 to i32
        %cond3A_150 = arith.constant 0 : i32
        %cond3A_151 = arith.cmpi ne, %convert_element_type3A_149, %cond3A_150 : i32
        scf.if %cond3A_151 {
          %add3A_184 = arith.constant 2 : i32
          %add3A_185 = arith.addi %add3A_133, %add3A_184 : i32
          %dma_start3A_186 = arith.constant 0 : i32
          %dma_start3A_187 = tpu.memref_slice %arg9[%add3A_185, %dma_start3A_186] : memref<160x128xi32, #tpu.memory_space<vmem>> -> memref<1x128xi32, #tpu.memory_space<vmem>>
          %dma_start3A_188 = tpu.memref_squeeze %dma_start3A_187 : memref<1x128xi32, #tpu.memory_space<vmem>> -> memref<128xi32, #tpu.memory_space<vmem>>
          %dma_start3A_189 = arith.constant 0 : i32
          %dma_start3A_190 = arith.constant 0 : i32
          %dma_start3A_191 = tpu.memref_slice %arg16[%dma_start3A_189, %dma_start3A_190] : memref<10240x32xf32, #tpu.memory_space<vmem_shared>> -> memref<10240x32xf32, #tpu.memory_space<vmem_shared>>
          tpu.enqueue_indirect_dma source(%dma_start3A_191 : memref<10240x32xf32, #tpu.memory_space<vmem_shared>>) target(%arg11 : memref<128x32xf32, #tpu.memory_space<vmem>>) offsets(%dma_start3A_188 : memref<128xi32, #tpu.memory_space<vmem>>) semaphore(%arg17 : memref<!tpu.dma_semaphore, #tpu.memory_space<semaphore_mem>>)
        } else {
        }
        %dma_start3A_152 = arith.constant 0 : i32
        %dma_start3A_153 = tpu.memref_slice %arg10[%add3A_133, %dma_start3A_152] : memref<160x128xi32, #tpu.memory_space<vmem>> -> memref<1x128xi32, #tpu.memory_space<vmem>>
        %dma_start3A_154 = tpu.memref_squeeze %dma_start3A_153 : memref<1x128xi32, #tpu.memory_space<vmem>> -> memref<128xi32, #tpu.memory_space<vmem>>
        %dma_start3A_155 = arith.constant 0 : i32
        %dma_start3A_156 = arith.constant 0 : i32
        %dma_start3A_157 = tpu.memref_slice %arg15[%dma_start3A_155, %dma_start3A_156] : memref<10240x32xf32, #tpu.memory_space<vmem_shared>> -> memref<10240x32xf32, #tpu.memory_space<vmem_shared>>
        tpu.enqueue_indirect_dma source(%arg13 : memref<128x32xf32, #tpu.memory_space<vmem>>) target(%dma_start3A_157 : memref<10240x32xf32, #tpu.memory_space<vmem_shared>>) offsets(%dma_start3A_154 : memref<128xi32, #tpu.memory_space<vmem>>) semaphore(%arg18 : memref<!tpu.dma_semaphore, #tpu.memory_space<semaphore_mem>>) {add = true}
        %add3A_158 = arith.constant 3 : i32
        %add3A_159 = arith.addi %mul3A_82, %add3A_158 : i32
        %dma_wait3A_160 = arith.constant 0 : i32
        %dma_wait3A_161 = tpu.memref_slice %arg9[%add3A_159, %dma_wait3A_160] : memref<160x128xi32, #tpu.memory_space<vmem>> -> memref<1x128xi32, #tpu.memory_space<vmem>>
        %dma_wait3A_162 = tpu.memref_squeeze %dma_wait3A_161 : memref<1x128xi32, #tpu.memory_space<vmem>> -> memref<128xi32, #tpu.memory_space<vmem>>
        %dma_wait3A_163 = arith.constant 0 : i32
        %dma_wait3A_164 = arith.constant 0 : i32
        %dma_wait3A_165 = tpu.memref_slice %arg16[%dma_wait3A_163, %dma_wait3A_164] : memref<10240x32xf32, #tpu.memory_space<vmem_shared>> -> memref<10240x32xf32, #tpu.memory_space<vmem_shared>>
        tpu.wait_indirect_dma semaphore(%arg17 : memref<!tpu.dma_semaphore, #tpu.memory_space<semaphore_mem>>) src(%dma_wait3A_165 : memref<10240x32xf32, #tpu.memory_space<vmem_shared>>) dst(%arg14 : memref<128x32xf32, #tpu.memory_space<vmem>>)
        %ge3A_166 = arith.constant 2 : i32
        %ge3A_167 = arith.cmpi sge, %add3A_159, %ge3A_166 : i32
        %convert_element_type3A_168 = arith.extui %ge3A_167 : i1 to i32
        %cond3A_169 = arith.constant 0 : i32
        %cond3A_170 = arith.cmpi ne, %convert_element_type3A_168, %cond3A_169 : i32
        scf.if %cond3A_170 {
          %sub3A = arith.constant 2 : i32
          %sub3A_184 = arith.subi %add3A_159, %sub3A : i32
          %dma_wait3A_185 = arith.constant 0 : i32
          %dma_wait3A_186 = tpu.memref_slice %arg10[%sub3A_184, %dma_wait3A_185] : memref<160x128xi32, #tpu.memory_space<vmem>> -> memref<1x128xi32, #tpu.memory_space<vmem>>
          %dma_wait3A_187 = tpu.memref_squeeze %dma_wait3A_186 : memref<1x128xi32, #tpu.memory_space<vmem>> -> memref<128xi32, #tpu.memory_space<vmem>>
          %dma_wait3A_188 = arith.constant 0 : i32
          %dma_wait3A_189 = arith.constant 0 : i32
          %dma_wait3A_190 = tpu.memref_slice %arg15[%dma_wait3A_188, %dma_wait3A_189] : memref<10240x32xf32, #tpu.memory_space<vmem_shared>> -> memref<10240x32xf32, #tpu.memory_space<vmem_shared>>
          tpu.wait_indirect_dma semaphore(%arg18 : memref<!tpu.dma_semaphore, #tpu.memory_space<semaphore_mem>>) src(%arg12 : memref<128x32xf32, #tpu.memory_space<vmem>>) dst(%dma_wait3A_190 : memref<10240x32xf32, #tpu.memory_space<vmem_shared>>)
        } else {
        }
        %add3A_171 = arith.constant 2 : i32
        %add3A_172 = arith.addi %add3A_159, %add3A_171 : i32
        %lt3A_173 = arith.constant 160 : i32
        %lt3A_174 = arith.cmpi slt, %add3A_172, %lt3A_173 : i32
        %convert_element_type3A_175 = arith.extui %lt3A_174 : i1 to i32
        %cond3A_176 = arith.constant 0 : i32
        %cond3A_177 = arith.cmpi ne, %convert_element_type3A_175, %cond3A_176 : i32
        scf.if %cond3A_177 {
          %add3A_184 = arith.constant 2 : i32
          %add3A_185 = arith.addi %add3A_159, %add3A_184 : i32
          %dma_start3A_186 = arith.constant 0 : i32
          %dma_start3A_187 = tpu.memref_slice %arg9[%add3A_185, %dma_start3A_186] : memref<160x128xi32, #tpu.memory_space<vmem>> -> memref<1x128xi32, #tpu.memory_space<vmem>>
          %dma_start3A_188 = tpu.memref_squeeze %dma_start3A_187 : memref<1x128xi32, #tpu.memory_space<vmem>> -> memref<128xi32, #tpu.memory_space<vmem>>
          %dma_start3A_189 = arith.constant 0 : i32
          %dma_start3A_190 = arith.constant 0 : i32
          %dma_start3A_191 = tpu.memref_slice %arg16[%dma_start3A_189, %dma_start3A_190] : memref<10240x32xf32, #tpu.memory_space<vmem_shared>> -> memref<10240x32xf32, #tpu.memory_space<vmem_shared>>
          tpu.enqueue_indirect_dma source(%dma_start3A_191 : memref<10240x32xf32, #tpu.memory_space<vmem_shared>>) target(%arg12 : memref<128x32xf32, #tpu.memory_space<vmem>>) offsets(%dma_start3A_188 : memref<128xi32, #tpu.memory_space<vmem>>) semaphore(%arg17 : memref<!tpu.dma_semaphore, #tpu.memory_space<semaphore_mem>>)
        } else {
        }
        %dma_start3A_178 = arith.constant 0 : i32
        %dma_start3A_179 = tpu.memref_slice %arg10[%add3A_159, %dma_start3A_178] : memref<160x128xi32, #tpu.memory_space<vmem>> -> memref<1x128xi32, #tpu.memory_space<vmem>>
        %dma_start3A_180 = tpu.memref_squeeze %dma_start3A_179 : memref<1x128xi32, #tpu.memory_space<vmem>> -> memref<128xi32, #tpu.memory_space<vmem>>
        %dma_start3A_181 = arith.constant 0 : i32
        %dma_start3A_182 = arith.constant 0 : i32
        %dma_start3A_183 = tpu.memref_slice %arg15[%dma_start3A_181, %dma_start3A_182] : memref<10240x32xf32, #tpu.memory_space<vmem_shared>> -> memref<10240x32xf32, #tpu.memory_space<vmem_shared>>
        tpu.enqueue_indirect_dma source(%arg14 : memref<128x32xf32, #tpu.memory_space<vmem>>) target(%dma_start3A_183 : memref<10240x32xf32, #tpu.memory_space<vmem_shared>>) offsets(%dma_start3A_180 : memref<128xi32, #tpu.memory_space<vmem>>) semaphore(%arg18 : memref<!tpu.dma_semaphore, #tpu.memory_space<semaphore_mem>>) {add = true}
      }
      %scan3A_64 = arith.constant 40 : i32
      %dma_wait3A_65 = arith.constant 158 : i32
      %dma_wait3A_66 = arith.constant 0 : i32
      %dma_wait3A_67 = tpu.memref_slice %arg10[%dma_wait3A_65, %dma_wait3A_66] : memref<160x128xi32, #tpu.memory_space<vmem>> -> memref<1x128xi32, #tpu.memory_space<vmem>>
      %dma_wait3A_68 = tpu.memref_squeeze %dma_wait3A_67 : memref<1x128xi32, #tpu.memory_space<vmem>> -> memref<128xi32, #tpu.memory_space<vmem>>
      %dma_wait3A_69 = arith.constant 0 : i32
      %dma_wait3A_70 = arith.constant 0 : i32
      %dma_wait3A_71 = tpu.memref_slice %arg15[%dma_wait3A_69, %dma_wait3A_70] : memref<10240x32xf32, #tpu.memory_space<vmem_shared>> -> memref<10240x32xf32, #tpu.memory_space<vmem_shared>>
      tpu.wait_indirect_dma semaphore(%arg18 : memref<!tpu.dma_semaphore, #tpu.memory_space<semaphore_mem>>) src(%arg13 : memref<128x32xf32, #tpu.memory_space<vmem>>) dst(%dma_wait3A_71 : memref<10240x32xf32, #tpu.memory_space<vmem_shared>>)
      %dma_wait3A_72 = arith.constant 159 : i32
      %dma_wait3A_73 = arith.constant 0 : i32
      %dma_wait3A_74 = tpu.memref_slice %arg10[%dma_wait3A_72, %dma_wait3A_73] : memref<160x128xi32, #tpu.memory_space<vmem>> -> memref<1x128xi32, #tpu.memory_space<vmem>>
      %dma_wait3A_75 = tpu.memref_squeeze %dma_wait3A_74 : memref<1x128xi32, #tpu.memory_space<vmem>> -> memref<128xi32, #tpu.memory_space<vmem>>
      %dma_wait3A_76 = arith.constant 0 : i32
      %dma_wait3A_77 = arith.constant 0 : i32
      %dma_wait3A_78 = tpu.memref_slice %arg15[%dma_wait3A_76, %dma_wait3A_77] : memref<10240x32xf32, #tpu.memory_space<vmem_shared>> -> memref<10240x32xf32, #tpu.memory_space<vmem_shared>>
      tpu.wait_indirect_dma semaphore(%arg18 : memref<!tpu.dma_semaphore, #tpu.memory_space<semaphore_mem>>) src(%arg14 : memref<128x32xf32, #tpu.memory_space<vmem>>) dst(%dma_wait3A_78 : memref<10240x32xf32, #tpu.memory_space<vmem_shared>>)
      %barrier3A_79 = arith.constant 0 : index
      tpu.barrier barrier_id(%barrier3A_79)
      "tpu.region"() ({
        %run_scoped3A = tpu.sem_alloc : memref<!tpu.dma_semaphore, #tpu.memory_space<semaphore_mem>>
        %dma_start3A_80 = arith.constant 0 : i32
        %dma_start3A_81 = tpu.memref_slice %arg7[%mul3A_0, %dma_start3A_80] : memref<10240x32xf32, #tpu.memory_space<hbm>> -> memref<640x32xf32, #tpu.memory_space<hbm>>
        %dma_start3A_82 = arith.constant 0 : i32
        %dma_start3A_83 = tpu.memref_slice %arg15[%mul3A_0, %dma_start3A_82] : memref<10240x32xf32, #tpu.memory_space<vmem_shared>> -> memref<640x32xf32, #tpu.memory_space<vmem_shared>>
        tpu.enqueue_dma source(%dma_start3A_83 : memref<640x32xf32, #tpu.memory_space<vmem_shared>>) target(%dma_start3A_81 : memref<640x32xf32, #tpu.memory_space<hbm>>) target_semaphore(%run_scoped3A : memref<!tpu.dma_semaphore, #tpu.memory_space<semaphore_mem>>)
        %dma_wait3A_84 = arith.constant 0 : i32
        %dma_wait3A_85 = tpu.memref_slice %arg7[%mul3A_0, %dma_wait3A_84] : memref<10240x32xf32, #tpu.memory_space<hbm>> -> memref<640x32xf32, #tpu.memory_space<hbm>>
        %dma_wait3A_86 = arith.constant 0 : i32
        %dma_wait3A_87 = tpu.memref_slice %arg15[%mul3A_0, %dma_wait3A_86] : memref<10240x32xf32, #tpu.memory_space<vmem_shared>> -> memref<640x32xf32, #tpu.memory_space<vmem_shared>>
        tpu.wait_dma2 semaphore(%run_scoped3A : memref<!tpu.dma_semaphore, #tpu.memory_space<semaphore_mem>>) src(%dma_wait3A_87 : memref<640x32xf32, #tpu.memory_space<vmem_shared>>) dst(%dma_wait3A_85 : memref<640x32xf32, #tpu.memory_space<hbm>>)
        tpu.yield
      }) : () -> ()
    } else {
    }
    %eq3A_41 = arith.constant 1 : i32
    %eq3A_42 = arith.cmpi eq, %arg0, %eq3A_41 : i32
    %convert_element_type3A_43 = arith.extui %eq3A_42 : i1 to i32
    %cond3A_44 = arith.constant 0 : i32
    %cond3A_45 = arith.cmpi ne, %convert_element_type3A_43, %cond3A_44 : i32
    scf.if %cond3A_45 {
      %dma_start3A_46 = arith.constant 0 : i32
      %dma_start3A_47 = arith.constant 0 : i32
      %dma_start3A_48 = tpu.memref_slice %arg9[%dma_start3A_46, %dma_start3A_47] : memref<160x128xi32, #tpu.memory_space<vmem>> -> memref<1x128xi32, #tpu.memory_space<vmem>>
      %dma_start3A_49 = tpu.memref_squeeze %dma_start3A_48 : memref<1x128xi32, #tpu.memory_space<vmem>> -> memref<128xi32, #tpu.memory_space<vmem>>
      %dma_start3A_50 = arith.constant 0 : i32
      %dma_start3A_51 = arith.constant 0 : i32
      %dma_start3A_52 = tpu.memref_slice %arg16[%dma_start3A_50, %dma_start3A_51] : memref<10240x32xf32, #tpu.memory_space<vmem_shared>> -> memref<10240x32xf32, #tpu.memory_space<vmem_shared>>
      tpu.enqueue_indirect_dma source(%dma_start3A_52 : memref<10240x32xf32, #tpu.memory_space<vmem_shared>>) target(%arg11 : memref<128x32xf32, #tpu.memory_space<vmem>>) offsets(%dma_start3A_49 : memref<128xi32, #tpu.memory_space<vmem>>) semaphore(%arg17 : memref<!tpu.dma_semaphore, #tpu.memory_space<semaphore_mem>>)
      %dma_start3A_53 = arith.constant 1 : i32
      %dma_start3A_54 = arith.constant 0 : i32
      %dma_start3A_55 = tpu.memref_slice %arg9[%dma_start3A_53, %dma_start3A_54] : memref<160x128xi32, #tpu.memory_space<vmem>> -> memref<1x128xi32, #tpu.memory_space<vmem>>
      %dma_start3A_56 = tpu.memref_squeeze %dma_start3A_55 : memref<1x128xi32, #tpu.memory_space<vmem>> -> memref<128xi32, #tpu.memory_space<vmem>>
      %dma_start3A_57 = arith.constant 0 : i32
      %dma_start3A_58 = arith.constant 0 : i32
      %dma_start3A_59 = tpu.memref_slice %arg16[%dma_start3A_57, %dma_start3A_58] : memref<10240x32xf32, #tpu.memory_space<vmem_shared>> -> memref<10240x32xf32, #tpu.memory_space<vmem_shared>>
      tpu.enqueue_indirect_dma source(%dma_start3A_59 : memref<10240x32xf32, #tpu.memory_space<vmem_shared>>) target(%arg12 : memref<128x32xf32, #tpu.memory_space<vmem>>) offsets(%dma_start3A_56 : memref<128xi32, #tpu.memory_space<vmem>>) semaphore(%arg17 : memref<!tpu.dma_semaphore, #tpu.memory_space<semaphore_mem>>)
      %scan3A = arith.constant 0 : i32
      %scan3A_60 = arith.constant 0 : i32
      %scan3A_61 = arith.constant 40 : i32
      %scan3A_62 = arith.addi %scan3A_60, %scan3A_61 : i32
      %scan3A_63 = arith.constant 1 : i32
      scf.for %scan3A_80 = %scan3A_60 to %scan3A_62 step %scan3A_63  : i32 {
        %mul3A_81 = arith.constant 4 : i32
        %mul3A_82 = arith.muli %scan3A_80, %mul3A_81 : i32
        %add3A = arith.constant 0 : i32
        %add3A_83 = arith.addi %mul3A_82, %add3A : i32
        %dma_wait3A_84 = arith.constant 0 : i32
        %dma_wait3A_85 = tpu.memref_slice %arg9[%add3A_83, %dma_wait3A_84] : memref<160x128xi32, #tpu.memory_space<vmem>> -> memref<1x128xi32, #tpu.memory_space<vmem>>
        %dma_wait3A_86 = tpu.memref_squeeze %dma_wait3A_85 : memref<1x128xi32, #tpu.memory_space<vmem>> -> memref<128xi32, #tpu.memory_space<vmem>>
        %dma_wait3A_87 = arith.constant 0 : i32
        %dma_wait3A_88 = arith.constant 0 : i32
        %dma_wait3A_89 = tpu.memref_slice %arg16[%dma_wait3A_87, %dma_wait3A_88] : memref<10240x32xf32, #tpu.memory_space<vmem_shared>> -> memref<10240x32xf32, #tpu.memory_space<vmem_shared>>
        tpu.wait_indirect_dma semaphore(%arg17 : memref<!tpu.dma_semaphore, #tpu.memory_space<semaphore_mem>>) src(%dma_wait3A_89 : memref<10240x32xf32, #tpu.memory_space<vmem_shared>>) dst(%arg11 : memref<128x32xf32, #tpu.memory_space<vmem>>)
        %ge3A = arith.constant 2 : i32
        %ge3A_90 = arith.cmpi sge, %add3A_83, %ge3A : i32
        %convert_element_type3A_91 = arith.extui %ge3A_90 : i1 to i32
        %cond3A_92 = arith.constant 0 : i32
        %cond3A_93 = arith.cmpi ne, %convert_element_type3A_91, %cond3A_92 : i32
        scf.if %cond3A_93 {
          %sub3A = arith.constant 2 : i32
          %sub3A_184 = arith.subi %add3A_83, %sub3A : i32
          %dma_wait3A_185 = arith.constant 0 : i32
          %dma_wait3A_186 = tpu.memref_slice %arg10[%sub3A_184, %dma_wait3A_185] : memref<160x128xi32, #tpu.memory_space<vmem>> -> memref<1x128xi32, #tpu.memory_space<vmem>>
          %dma_wait3A_187 = tpu.memref_squeeze %dma_wait3A_186 : memref<1x128xi32, #tpu.memory_space<vmem>> -> memref<128xi32, #tpu.memory_space<vmem>>
          %dma_wait3A_188 = arith.constant 0 : i32
          %dma_wait3A_189 = arith.constant 0 : i32
          %dma_wait3A_190 = tpu.memref_slice %arg15[%dma_wait3A_188, %dma_wait3A_189] : memref<10240x32xf32, #tpu.memory_space<vmem_shared>> -> memref<10240x32xf32, #tpu.memory_space<vmem_shared>>
          tpu.wait_indirect_dma semaphore(%arg18 : memref<!tpu.dma_semaphore, #tpu.memory_space<semaphore_mem>>) src(%arg13 : memref<128x32xf32, #tpu.memory_space<vmem>>) dst(%dma_wait3A_190 : memref<10240x32xf32, #tpu.memory_space<vmem_shared>>)
        } else {
        }
        %add3A_94 = arith.constant 2 : i32
        %add3A_95 = arith.addi %add3A_83, %add3A_94 : i32
        %lt3A = arith.constant 160 : i32
        %lt3A_96 = arith.cmpi slt, %add3A_95, %lt3A : i32
        %convert_element_type3A_97 = arith.extui %lt3A_96 : i1 to i32
        %cond3A_98 = arith.constant 0 : i32
        %cond3A_99 = arith.cmpi ne, %convert_element_type3A_97, %cond3A_98 : i32
        scf.if %cond3A_99 {
          %add3A_184 = arith.constant 2 : i32
          %add3A_185 = arith.addi %add3A_83, %add3A_184 : i32
          %dma_start3A_186 = arith.constant 0 : i32
          %dma_start3A_187 = tpu.memref_slice %arg9[%add3A_185, %dma_start3A_186] : memref<160x128xi32, #tpu.memory_space<vmem>> -> memref<1x128xi32, #tpu.memory_space<vmem>>
          %dma_start3A_188 = tpu.memref_squeeze %dma_start3A_187 : memref<1x128xi32, #tpu.memory_space<vmem>> -> memref<128xi32, #tpu.memory_space<vmem>>
          %dma_start3A_189 = arith.constant 0 : i32
          %dma_start3A_190 = arith.constant 0 : i32
          %dma_start3A_191 = tpu.memref_slice %arg16[%dma_start3A_189, %dma_start3A_190] : memref<10240x32xf32, #tpu.memory_space<vmem_shared>> -> memref<10240x32xf32, #tpu.memory_space<vmem_shared>>
          tpu.enqueue_indirect_dma source(%dma_start3A_191 : memref<10240x32xf32, #tpu.memory_space<vmem_shared>>) target(%arg13 : memref<128x32xf32, #tpu.memory_space<vmem>>) offsets(%dma_start3A_188 : memref<128xi32, #tpu.memory_space<vmem>>) semaphore(%arg17 : memref<!tpu.dma_semaphore, #tpu.memory_space<semaphore_mem>>)
        } else {
        }
        %dma_start3A_100 = arith.constant 0 : i32
        %dma_start3A_101 = tpu.memref_slice %arg10[%add3A_83, %dma_start3A_100] : memref<160x128xi32, #tpu.memory_space<vmem>> -> memref<1x128xi32, #tpu.memory_space<vmem>>
        %dma_start3A_102 = tpu.memref_squeeze %dma_start3A_101 : memref<1x128xi32, #tpu.memory_space<vmem>> -> memref<128xi32, #tpu.memory_space<vmem>>
        %dma_start3A_103 = arith.constant 0 : i32
        %dma_start3A_104 = arith.constant 0 : i32
        %dma_start3A_105 = tpu.memref_slice %arg15[%dma_start3A_103, %dma_start3A_104] : memref<10240x32xf32, #tpu.memory_space<vmem_shared>> -> memref<10240x32xf32, #tpu.memory_space<vmem_shared>>
        tpu.enqueue_indirect_dma source(%arg11 : memref<128x32xf32, #tpu.memory_space<vmem>>) target(%dma_start3A_105 : memref<10240x32xf32, #tpu.memory_space<vmem_shared>>) offsets(%dma_start3A_102 : memref<128xi32, #tpu.memory_space<vmem>>) semaphore(%arg18 : memref<!tpu.dma_semaphore, #tpu.memory_space<semaphore_mem>>) {add = true}
        %add3A_106 = arith.constant 1 : i32
        %add3A_107 = arith.addi %mul3A_82, %add3A_106 : i32
        %dma_wait3A_108 = arith.constant 0 : i32
        %dma_wait3A_109 = tpu.memref_slice %arg9[%add3A_107, %dma_wait3A_108] : memref<160x128xi32, #tpu.memory_space<vmem>> -> memref<1x128xi32, #tpu.memory_space<vmem>>
        %dma_wait3A_110 = tpu.memref_squeeze %dma_wait3A_109 : memref<1x128xi32, #tpu.memory_space<vmem>> -> memref<128xi32, #tpu.memory_space<vmem>>
        %dma_wait3A_111 = arith.constant 0 : i32
        %dma_wait3A_112 = arith.constant 0 : i32
        %dma_wait3A_113 = tpu.memref_slice %arg16[%dma_wait3A_111, %dma_wait3A_112] : memref<10240x32xf32, #tpu.memory_space<vmem_shared>> -> memref<10240x32xf32, #tpu.memory_space<vmem_shared>>
        tpu.wait_indirect_dma semaphore(%arg17 : memref<!tpu.dma_semaphore, #tpu.memory_space<semaphore_mem>>) src(%dma_wait3A_113 : memref<10240x32xf32, #tpu.memory_space<vmem_shared>>) dst(%arg12 : memref<128x32xf32, #tpu.memory_space<vmem>>)
        %ge3A_114 = arith.constant 2 : i32
        %ge3A_115 = arith.cmpi sge, %add3A_107, %ge3A_114 : i32
        %convert_element_type3A_116 = arith.extui %ge3A_115 : i1 to i32
        %cond3A_117 = arith.constant 0 : i32
        %cond3A_118 = arith.cmpi ne, %convert_element_type3A_116, %cond3A_117 : i32
        scf.if %cond3A_118 {
          %sub3A = arith.constant 2 : i32
          %sub3A_184 = arith.subi %add3A_107, %sub3A : i32
          %dma_wait3A_185 = arith.constant 0 : i32
          %dma_wait3A_186 = tpu.memref_slice %arg10[%sub3A_184, %dma_wait3A_185] : memref<160x128xi32, #tpu.memory_space<vmem>> -> memref<1x128xi32, #tpu.memory_space<vmem>>
          %dma_wait3A_187 = tpu.memref_squeeze %dma_wait3A_186 : memref<1x128xi32, #tpu.memory_space<vmem>> -> memref<128xi32, #tpu.memory_space<vmem>>
          %dma_wait3A_188 = arith.constant 0 : i32
          %dma_wait3A_189 = arith.constant 0 : i32
          %dma_wait3A_190 = tpu.memref_slice %arg15[%dma_wait3A_188, %dma_wait3A_189] : memref<10240x32xf32, #tpu.memory_space<vmem_shared>> -> memref<10240x32xf32, #tpu.memory_space<vmem_shared>>
          tpu.wait_indirect_dma semaphore(%arg18 : memref<!tpu.dma_semaphore, #tpu.memory_space<semaphore_mem>>) src(%arg14 : memref<128x32xf32, #tpu.memory_space<vmem>>) dst(%dma_wait3A_190 : memref<10240x32xf32, #tpu.memory_space<vmem_shared>>)
        } else {
        }
        %add3A_119 = arith.constant 2 : i32
        %add3A_120 = arith.addi %add3A_107, %add3A_119 : i32
        %lt3A_121 = arith.constant 160 : i32
        %lt3A_122 = arith.cmpi slt, %add3A_120, %lt3A_121 : i32
        %convert_element_type3A_123 = arith.extui %lt3A_122 : i1 to i32
        %cond3A_124 = arith.constant 0 : i32
        %cond3A_125 = arith.cmpi ne, %convert_element_type3A_123, %cond3A_124 : i32
        scf.if %cond3A_125 {
          %add3A_184 = arith.constant 2 : i32
          %add3A_185 = arith.addi %add3A_107, %add3A_184 : i32
          %dma_start3A_186 = arith.constant 0 : i32
          %dma_start3A_187 = tpu.memref_slice %arg9[%add3A_185, %dma_start3A_186] : memref<160x128xi32, #tpu.memory_space<vmem>> -> memref<1x128xi32, #tpu.memory_space<vmem>>
          %dma_start3A_188 = tpu.memref_squeeze %dma_start3A_187 : memref<1x128xi32, #tpu.memory_space<vmem>> -> memref<128xi32, #tpu.memory_space<vmem>>
          %dma_start3A_189 = arith.constant 0 : i32
          %dma_start3A_190 = arith.constant 0 : i32
          %dma_start3A_191 = tpu.memref_slice %arg16[%dma_start3A_189, %dma_start3A_190] : memref<10240x32xf32, #tpu.memory_space<vmem_shared>> -> memref<10240x32xf32, #tpu.memory_space<vmem_shared>>
          tpu.enqueue_indirect_dma source(%dma_start3A_191 : memref<10240x32xf32, #tpu.memory_space<vmem_shared>>) target(%arg14 : memref<128x32xf32, #tpu.memory_space<vmem>>) offsets(%dma_start3A_188 : memref<128xi32, #tpu.memory_space<vmem>>) semaphore(%arg17 : memref<!tpu.dma_semaphore, #tpu.memory_space<semaphore_mem>>)
        } else {
        }
        %dma_start3A_126 = arith.constant 0 : i32
        %dma_start3A_127 = tpu.memref_slice %arg10[%add3A_107, %dma_start3A_126] : memref<160x128xi32, #tpu.memory_space<vmem>> -> memref<1x128xi32, #tpu.memory_space<vmem>>
        %dma_start3A_128 = tpu.memref_squeeze %dma_start3A_127 : memref<1x128xi32, #tpu.memory_space<vmem>> -> memref<128xi32, #tpu.memory_space<vmem>>
        %dma_start3A_129 = arith.constant 0 : i32
        %dma_start3A_130 = arith.constant 0 : i32
        %dma_start3A_131 = tpu.memref_slice %arg15[%dma_start3A_129, %dma_start3A_130] : memref<10240x32xf32, #tpu.memory_space<vmem_shared>> -> memref<10240x32xf32, #tpu.memory_space<vmem_shared>>
        tpu.enqueue_indirect_dma source(%arg12 : memref<128x32xf32, #tpu.memory_space<vmem>>) target(%dma_start3A_131 : memref<10240x32xf32, #tpu.memory_space<vmem_shared>>) offsets(%dma_start3A_128 : memref<128xi32, #tpu.memory_space<vmem>>) semaphore(%arg18 : memref<!tpu.dma_semaphore, #tpu.memory_space<semaphore_mem>>) {add = true}
        %add3A_132 = arith.constant 2 : i32
        %add3A_133 = arith.addi %mul3A_82, %add3A_132 : i32
        %dma_wait3A_134 = arith.constant 0 : i32
        %dma_wait3A_135 = tpu.memref_slice %arg9[%add3A_133, %dma_wait3A_134] : memref<160x128xi32, #tpu.memory_space<vmem>> -> memref<1x128xi32, #tpu.memory_space<vmem>>
        %dma_wait3A_136 = tpu.memref_squeeze %dma_wait3A_135 : memref<1x128xi32, #tpu.memory_space<vmem>> -> memref<128xi32, #tpu.memory_space<vmem>>
        %dma_wait3A_137 = arith.constant 0 : i32
        %dma_wait3A_138 = arith.constant 0 : i32
        %dma_wait3A_139 = tpu.memref_slice %arg16[%dma_wait3A_137, %dma_wait3A_138] : memref<10240x32xf32, #tpu.memory_space<vmem_shared>> -> memref<10240x32xf32, #tpu.memory_space<vmem_shared>>
        tpu.wait_indirect_dma semaphore(%arg17 : memref<!tpu.dma_semaphore, #tpu.memory_space<semaphore_mem>>) src(%dma_wait3A_139 : memref<10240x32xf32, #tpu.memory_space<vmem_shared>>) dst(%arg13 : memref<128x32xf32, #tpu.memory_space<vmem>>)
        %ge3A_140 = arith.constant 2 : i32
        %ge3A_141 = arith.cmpi sge, %add3A_133, %ge3A_140 : i32
        %convert_element_type3A_142 = arith.extui %ge3A_141 : i1 to i32
        %cond3A_143 = arith.constant 0 : i32
        %cond3A_144 = arith.cmpi ne, %convert_element_type3A_142, %cond3A_143 : i32
        scf.if %cond3A_144 {
          %sub3A = arith.constant 2 : i32
          %sub3A_184 = arith.subi %add3A_133, %sub3A : i32
          %dma_wait3A_185 = arith.constant 0 : i32
          %dma_wait3A_186 = tpu.memref_slice %arg10[%sub3A_184, %dma_wait3A_185] : memref<160x128xi32, #tpu.memory_space<vmem>> -> memref<1x128xi32, #tpu.memory_space<vmem>>
          %dma_wait3A_187 = tpu.memref_squeeze %dma_wait3A_186 : memref<1x128xi32, #tpu.memory_space<vmem>> -> memref<128xi32, #tpu.memory_space<vmem>>
          %dma_wait3A_188 = arith.constant 0 : i32
          %dma_wait3A_189 = arith.constant 0 : i32
          %dma_wait3A_190 = tpu.memref_slice %arg15[%dma_wait3A_188, %dma_wait3A_189] : memref<10240x32xf32, #tpu.memory_space<vmem_shared>> -> memref<10240x32xf32, #tpu.memory_space<vmem_shared>>
          tpu.wait_indirect_dma semaphore(%arg18 : memref<!tpu.dma_semaphore, #tpu.memory_space<semaphore_mem>>) src(%arg11 : memref<128x32xf32, #tpu.memory_space<vmem>>) dst(%dma_wait3A_190 : memref<10240x32xf32, #tpu.memory_space<vmem_shared>>)
        } else {
        }
        %add3A_145 = arith.constant 2 : i32
        %add3A_146 = arith.addi %add3A_133, %add3A_145 : i32
        %lt3A_147 = arith.constant 160 : i32
        %lt3A_148 = arith.cmpi slt, %add3A_146, %lt3A_147 : i32
        %convert_element_type3A_149 = arith.extui %lt3A_148 : i1 to i32
        %cond3A_150 = arith.constant 0 : i32
        %cond3A_151 = arith.cmpi ne, %convert_element_type3A_149, %cond3A_150 : i32
        scf.if %cond3A_151 {
          %add3A_184 = arith.constant 2 : i32
          %add3A_185 = arith.addi %add3A_133, %add3A_184 : i32
          %dma_start3A_186 = arith.constant 0 : i32
          %dma_start3A_187 = tpu.memref_slice %arg9[%add3A_185, %dma_start3A_186] : memref<160x128xi32, #tpu.memory_space<vmem>> -> memref<1x128xi32, #tpu.memory_space<vmem>>
          %dma_start3A_188 = tpu.memref_squeeze %dma_start3A_187 : memref<1x128xi32, #tpu.memory_space<vmem>> -> memref<128xi32, #tpu.memory_space<vmem>>
          %dma_start3A_189 = arith.constant 0 : i32
          %dma_start3A_190 = arith.constant 0 : i32
          %dma_start3A_191 = tpu.memref_slice %arg16[%dma_start3A_189, %dma_start3A_190] : memref<10240x32xf32, #tpu.memory_space<vmem_shared>> -> memref<10240x32xf32, #tpu.memory_space<vmem_shared>>
          tpu.enqueue_indirect_dma source(%dma_start3A_191 : memref<10240x32xf32, #tpu.memory_space<vmem_shared>>) target(%arg11 : memref<128x32xf32, #tpu.memory_space<vmem>>) offsets(%dma_start3A_188 : memref<128xi32, #tpu.memory_space<vmem>>) semaphore(%arg17 : memref<!tpu.dma_semaphore, #tpu.memory_space<semaphore_mem>>)
        } else {
        }
        %dma_start3A_152 = arith.constant 0 : i32
        %dma_start3A_153 = tpu.memref_slice %arg10[%add3A_133, %dma_start3A_152] : memref<160x128xi32, #tpu.memory_space<vmem>> -> memref<1x128xi32, #tpu.memory_space<vmem>>
        %dma_start3A_154 = tpu.memref_squeeze %dma_start3A_153 : memref<1x128xi32, #tpu.memory_space<vmem>> -> memref<128xi32, #tpu.memory_space<vmem>>
        %dma_start3A_155 = arith.constant 0 : i32
        %dma_start3A_156 = arith.constant 0 : i32
        %dma_start3A_157 = tpu.memref_slice %arg15[%dma_start3A_155, %dma_start3A_156] : memref<10240x32xf32, #tpu.memory_space<vmem_shared>> -> memref<10240x32xf32, #tpu.memory_space<vmem_shared>>
        tpu.enqueue_indirect_dma source(%arg13 : memref<128x32xf32, #tpu.memory_space<vmem>>) target(%dma_start3A_157 : memref<10240x32xf32, #tpu.memory_space<vmem_shared>>) offsets(%dma_start3A_154 : memref<128xi32, #tpu.memory_space<vmem>>) semaphore(%arg18 : memref<!tpu.dma_semaphore, #tpu.memory_space<semaphore_mem>>) {add = true}
        %add3A_158 = arith.constant 3 : i32
        %add3A_159 = arith.addi %mul3A_82, %add3A_158 : i32
        %dma_wait3A_160 = arith.constant 0 : i32
        %dma_wait3A_161 = tpu.memref_slice %arg9[%add3A_159, %dma_wait3A_160] : memref<160x128xi32, #tpu.memory_space<vmem>> -> memref<1x128xi32, #tpu.memory_space<vmem>>
        %dma_wait3A_162 = tpu.memref_squeeze %dma_wait3A_161 : memref<1x128xi32, #tpu.memory_space<vmem>> -> memref<128xi32, #tpu.memory_space<vmem>>
        %dma_wait3A_163 = arith.constant 0 : i32
        %dma_wait3A_164 = arith.constant 0 : i32
        %dma_wait3A_165 = tpu.memref_slice %arg16[%dma_wait3A_163, %dma_wait3A_164] : memref<10240x32xf32, #tpu.memory_space<vmem_shared>> -> memref<10240x32xf32, #tpu.memory_space<vmem_shared>>
        tpu.wait_indirect_dma semaphore(%arg17 : memref<!tpu.dma_semaphore, #tpu.memory_space<semaphore_mem>>) src(%dma_wait3A_165 : memref<10240x32xf32, #tpu.memory_space<vmem_shared>>) dst(%arg14 : memref<128x32xf32, #tpu.memory_space<vmem>>)
        %ge3A_166 = arith.constant 2 : i32
        %ge3A_167 = arith.cmpi sge, %add3A_159, %ge3A_166 : i32
        %convert_element_type3A_168 = arith.extui %ge3A_167 : i1 to i32
        %cond3A_169 = arith.constant 0 : i32
        %cond3A_170 = arith.cmpi ne, %convert_element_type3A_168, %cond3A_169 : i32
        scf.if %cond3A_170 {
          %sub3A = arith.constant 2 : i32
          %sub3A_184 = arith.subi %add3A_159, %sub3A : i32
          %dma_wait3A_185 = arith.constant 0 : i32
          %dma_wait3A_186 = tpu.memref_slice %arg10[%sub3A_184, %dma_wait3A_185] : memref<160x128xi32, #tpu.memory_space<vmem>> -> memref<1x128xi32, #tpu.memory_space<vmem>>
          %dma_wait3A_187 = tpu.memref_squeeze %dma_wait3A_186 : memref<1x128xi32, #tpu.memory_space<vmem>> -> memref<128xi32, #tpu.memory_space<vmem>>
          %dma_wait3A_188 = arith.constant 0 : i32
          %dma_wait3A_189 = arith.constant 0 : i32
          %dma_wait3A_190 = tpu.memref_slice %arg15[%dma_wait3A_188, %dma_wait3A_189] : memref<10240x32xf32, #tpu.memory_space<vmem_shared>> -> memref<10240x32xf32, #tpu.memory_space<vmem_shared>>
          tpu.wait_indirect_dma semaphore(%arg18 : memref<!tpu.dma_semaphore, #tpu.memory_space<semaphore_mem>>) src(%arg12 : memref<128x32xf32, #tpu.memory_space<vmem>>) dst(%dma_wait3A_190 : memref<10240x32xf32, #tpu.memory_space<vmem_shared>>)
        } else {
        }
        %add3A_171 = arith.constant 2 : i32
        %add3A_172 = arith.addi %add3A_159, %add3A_171 : i32
        %lt3A_173 = arith.constant 160 : i32
        %lt3A_174 = arith.cmpi slt, %add3A_172, %lt3A_173 : i32
        %convert_element_type3A_175 = arith.extui %lt3A_174 : i1 to i32
        %cond3A_176 = arith.constant 0 : i32
        %cond3A_177 = arith.cmpi ne, %convert_element_type3A_175, %cond3A_176 : i32
        scf.if %cond3A_177 {
          %add3A_184 = arith.constant 2 : i32
          %add3A_185 = arith.addi %add3A_159, %add3A_184 : i32
          %dma_start3A_186 = arith.constant 0 : i32
          %dma_start3A_187 = tpu.memref_slice %arg9[%add3A_185, %dma_start3A_186] : memref<160x128xi32, #tpu.memory_space<vmem>> -> memref<1x128xi32, #tpu.memory_space<vmem>>
          %dma_start3A_188 = tpu.memref_squeeze %dma_start3A_187 : memref<1x128xi32, #tpu.memory_space<vmem>> -> memref<128xi32, #tpu.memory_space<vmem>>
          %dma_start3A_189 = arith.constant 0 : i32
          %dma_start3A_190 = arith.constant 0 : i32
          %dma_start3A_191 = tpu.memref_slice %arg16[%dma_start3A_189, %dma_start3A_190] : memref<10240x32xf32, #tpu.memory_space<vmem_shared>> -> memref<10240x32xf32, #tpu.memory_space<vmem_shared>>
          tpu.enqueue_indirect_dma source(%dma_start3A_191 : memref<10240x32xf32, #tpu.memory_space<vmem_shared>>) target(%arg12 : memref<128x32xf32, #tpu.memory_space<vmem>>) offsets(%dma_start3A_188 : memref<128xi32, #tpu.memory_space<vmem>>) semaphore(%arg17 : memref<!tpu.dma_semaphore, #tpu.memory_space<semaphore_mem>>)
        } else {
        }
        %dma_start3A_178 = arith.constant 0 : i32
        %dma_start3A_179 = tpu.memref_slice %arg10[%add3A_159, %dma_start3A_178] : memref<160x128xi32, #tpu.memory_space<vmem>> -> memref<1x128xi32, #tpu.memory_space<vmem>>
        %dma_start3A_180 = tpu.memref_squeeze %dma_start3A_179 : memref<1x128xi32, #tpu.memory_space<vmem>> -> memref<128xi32, #tpu.memory_space<vmem>>
        %dma_start3A_181 = arith.constant 0 : i32
        %dma_start3A_182 = arith.constant 0 : i32
        %dma_start3A_183 = tpu.memref_slice %arg15[%dma_start3A_181, %dma_start3A_182] : memref<10240x32xf32, #tpu.memory_space<vmem_shared>> -> memref<10240x32xf32, #tpu.memory_space<vmem_shared>>
        tpu.enqueue_indirect_dma source(%arg14 : memref<128x32xf32, #tpu.memory_space<vmem>>) target(%dma_start3A_183 : memref<10240x32xf32, #tpu.memory_space<vmem_shared>>) offsets(%dma_start3A_180 : memref<128xi32, #tpu.memory_space<vmem>>) semaphore(%arg18 : memref<!tpu.dma_semaphore, #tpu.memory_space<semaphore_mem>>) {add = true}
      }
      %scan3A_64 = arith.constant 40 : i32
      %dma_wait3A_65 = arith.constant 158 : i32
      %dma_wait3A_66 = arith.constant 0 : i32
      %dma_wait3A_67 = tpu.memref_slice %arg10[%dma_wait3A_65, %dma_wait3A_66] : memref<160x128xi32, #tpu.memory_space<vmem>> -> memref<1x128xi32, #tpu.memory_space<vmem>>
      %dma_wait3A_68 = tpu.memref_squeeze %dma_wait3A_67 : memref<1x128xi32, #tpu.memory_space<vmem>> -> memref<128xi32, #tpu.memory_space<vmem>>
      %dma_wait3A_69 = arith.constant 0 : i32
      %dma_wait3A_70 = arith.constant 0 : i32
      %dma_wait3A_71 = tpu.memref_slice %arg15[%dma_wait3A_69, %dma_wait3A_70] : memref<10240x32xf32, #tpu.memory_space<vmem_shared>> -> memref<10240x32xf32, #tpu.memory_space<vmem_shared>>
      tpu.wait_indirect_dma semaphore(%arg18 : memref<!tpu.dma_semaphore, #tpu.memory_space<semaphore_mem>>) src(%arg13 : memref<128x32xf32, #tpu.memory_space<vmem>>) dst(%dma_wait3A_71 : memref<10240x32xf32, #tpu.memory_space<vmem_shared>>)
      %dma_wait3A_72 = arith.constant 159 : i32
      %dma_wait3A_73 = arith.constant 0 : i32
      %dma_wait3A_74 = tpu.memref_slice %arg10[%dma_wait3A_72, %dma_wait3A_73] : memref<160x128xi32, #tpu.memory_space<vmem>> -> memref<1x128xi32, #tpu.memory_space<vmem>>
      %dma_wait3A_75 = tpu.memref_squeeze %dma_wait3A_74 : memref<1x128xi32, #tpu.memory_space<vmem>> -> memref<128xi32, #tpu.memory_space<vmem>>
      %dma_wait3A_76 = arith.constant 0 : i32
      %dma_wait3A_77 = arith.constant 0 : i32
      %dma_wait3A_78 = tpu.memref_slice %arg15[%dma_wait3A_76, %dma_wait3A_77] : memref<10240x32xf32, #tpu.memory_space<vmem_shared>> -> memref<10240x32xf32, #tpu.memory_space<vmem_shared>>
      tpu.wait_indirect_dma semaphore(%arg18 : memref<!tpu.dma_semaphore, #tpu.memory_space<semaphore_mem>>) src(%arg14 : memref<128x32xf32, #tpu.memory_space<vmem>>) dst(%dma_wait3A_78 : memref<10240x32xf32, #tpu.memory_space<vmem_shared>>)
      %barrier3A_79 = arith.constant 0 : index
      tpu.barrier barrier_id(%barrier3A_79)
      "tpu.region"() ({
        %run_scoped3A = tpu.sem_alloc : memref<!tpu.dma_semaphore, #tpu.memory_space<semaphore_mem>>
        %dma_start3A_80 = arith.constant 0 : i32
        %dma_start3A_81 = tpu.memref_slice %arg8[%mul3A_0, %dma_start3A_80] : memref<10240x32xf32, #tpu.memory_space<hbm>> -> memref<640x32xf32, #tpu.memory_space<hbm>>
        %dma_start3A_82 = arith.constant 0 : i32
        %dma_start3A_83 = tpu.memref_slice %arg15[%mul3A_0, %dma_start3A_82] : memref<10240x32xf32, #tpu.memory_space<vmem_shared>> -> memref<640x32xf32, #tpu.memory_space<vmem_shared>>
        tpu.enqueue_dma source(%dma_start3A_83 : memref<640x32xf32, #tpu.memory_space<vmem_shared>>) target(%dma_start3A_81 : memref<640x32xf32, #tpu.memory_space<hbm>>) target_semaphore(%run_scoped3A : memref<!tpu.dma_semaphore, #tpu.memory_space<semaphore_mem>>)
        %dma_wait3A_84 = arith.constant 0 : i32
        %dma_wait3A_85 = tpu.memref_slice %arg8[%mul3A_0, %dma_wait3A_84] : memref<10240x32xf32, #tpu.memory_space<hbm>> -> memref<640x32xf32, #tpu.memory_space<hbm>>
        %dma_wait3A_86 = arith.constant 0 : i32
        %dma_wait3A_87 = tpu.memref_slice %arg15[%mul3A_0, %dma_wait3A_86] : memref<10240x32xf32, #tpu.memory_space<vmem_shared>> -> memref<640x32xf32, #tpu.memory_space<vmem_shared>>
        tpu.wait_dma2 semaphore(%run_scoped3A : memref<!tpu.dma_semaphore, #tpu.memory_space<semaphore_mem>>) src(%dma_wait3A_87 : memref<640x32xf32, #tpu.memory_space<vmem_shared>>) dst(%dma_wait3A_85 : memref<640x32xf32, #tpu.memory_space<hbm>>)
        tpu.yield
      }) : () -> ()
    } else {
    }
    return
  }
}

module attributes {stable_mosaic.version = 14 : i64} {
  func.func @_tc1_body(%arg0: i32, %arg1: memref<32x512xf32, #tpu.memory_space<vmem>>, %arg2: memref<512x128xf32, #tpu.memory_space<vmem>>, %arg3: memref<128x64xf32, #tpu.memory_space<vmem>>, %arg4: memref<512x32xf32, #tpu.memory_space<vmem>>, %arg5: memref<512x32xf32, #tpu.memory_space<vmem>>, %arg6: memref<512xf32, #tpu.memory_space<vmem>>) attributes {dimension_semantics = [#tpu.dimension_semantics<arbitrary>], iteration_bounds = array<i64: 20>, scalar_prefetch = 0 : i64, scratch_operands = 0 : i64, tpu.core_type = #tpu.core_type<tc>, window_params = [{transform_indices = @transform_0, window_bounds = array<i64: 32, 512>}, {transform_indices = @transform_1, window_bounds = array<i64: 512, 128>}, {pipeline_mode = #tpu.pipeline_mode<synchronous>, transform_indices = @transform_2, window_bounds = array<i64: 128, 64>}, {transform_indices = @transform_3, window_bounds = array<i64: 512, 32>}, {transform_indices = @transform_4, window_bounds = array<i64: 512, 32>}, {transform_indices = @transform_5, window_bounds = array<i64: 512>}]} {
    %get3A = arith.constant 0 : index
    %get3A_0 = arith.constant 0 : index
    %get3A_1 = vector.load %arg1[%get3A, %get3A_0] : memref<32x512xf32, #tpu.memory_space<vmem>>, vector<32x512xf32>
    %reduce_sum3A = arith.constant dense<0.000000e+00> : vector<512xf32>
    %reduce_sum3A_2 = vector.multi_reduction <add>, %get3A_1, %reduce_sum3A [0] : vector<32x512xf32> to vector<512xf32>
    %add3A = arith.constant 1.000000e+00 : f32
    %add3A_3 = vector.broadcast %add3A : f32 to vector<512xf32>
    %add3A_4 = arith.addf %add3A_3, %reduce_sum3A_2 : vector<512xf32>
    %rsqrt3A = math.rsqrt %add3A_4 : vector<512xf32>
    %get3A_5 = arith.constant 0 : index
    %get3A_6 = arith.constant 0 : index
    %get3A_7 = vector.load %arg2[%get3A_5, %get3A_6] : memref<512x128xf32, #tpu.memory_space<vmem>>, vector<512x128xf32>
    %get3A_8 = arith.constant 0 : index
    %get3A_9 = arith.constant 0 : index
    %get3A_10 = vector.load %arg3[%get3A_8, %get3A_9] : memref<128x64xf32, #tpu.memory_space<vmem>>, vector<128x64xf32>
    %dot_general3A = arith.constant dense<0.000000e+00> : vector<512x64xf32>
    %dot_general3A_11 = tpu.matmul %get3A_7, %get3A_10, %dot_general3A {dimension_numbers = #tpu.dot_dimension_numbers<[1], [0], [0], [1], [0, 0, 1, 1], [], []>, transpose_lhs_hint = false} : vector<512x128xf32>, vector<128x64xf32>, vector<512x64xf32> -> vector<512x64xf32>
    %broadcast_in_dim3A = vector.shape_cast %rsqrt3A : vector<512xf32> to vector<512x1xf32>
    %mul3A = vector.broadcast %broadcast_in_dim3A : vector<512x1xf32> to vector<512x64xf32>
    %mul3A_12 = arith.mulf %dot_general3A_11, %mul3A : vector<512x64xf32>
    %slice3A = vector.extract_strided_slice %mul3A_12 {offsets = [0, 0], sizes = [512, 32], strides = [1, 1]} : vector<512x64xf32> to vector<512x32xf32>
    %swap3A = arith.constant 0 : index
    %swap3A_13 = arith.constant 0 : index
    %swap3A_14 = vector.load %arg4[%swap3A, %swap3A_13] : memref<512x32xf32, #tpu.memory_space<vmem>>, vector<512x32xf32>
    tpu.vector_store %arg4[%swap3A, %swap3A_13], %slice3A {strides = array<i32>} : memref<512x32xf32, #tpu.memory_space<vmem>>, vector<512x32xf32>,
    %slice3A_15 = vector.extract_strided_slice %mul3A_12 {offsets = [0, 32], sizes = [512, 32], strides = [1, 1]} : vector<512x64xf32> to vector<512x32xf32>
    %swap3A_16 = arith.constant 0 : index
    %swap3A_17 = arith.constant 0 : index
    %swap3A_18 = vector.load %arg5[%swap3A_16, %swap3A_17] : memref<512x32xf32, #tpu.memory_space<vmem>>, vector<512x32xf32>
    tpu.vector_store %arg5[%swap3A_16, %swap3A_17], %slice3A_15 {strides = array<i32>} : memref<512x32xf32, #tpu.memory_space<vmem>>, vector<512x32xf32>,
    %swap3A_19 = arith.constant 0 : index
    %swap3A_20 = vector.load %arg6[%swap3A_19] : memref<512xf32, #tpu.memory_space<vmem>>, vector<512xf32>
    tpu.vector_store %arg6[%swap3A_19], %rsqrt3A {strides = array<i32>} : memref<512xf32, #tpu.memory_space<vmem>>, vector<512xf32>,
    return
  }
  func.func @transform_0(%arg0: i32) -> (i32, i32) {
    %c0_i32 = arith.constant 0 : i32
    %c0_i32_0 = arith.constant 0 : i32
    return %c0_i32, %arg0 : i32, i32
  }
  func.func @transform_1(%arg0: i32) -> (i32, i32) {
    %c0_i32 = arith.constant 0 : i32
    %c0_i32_0 = arith.constant 0 : i32
    return %arg0, %c0_i32 : i32, i32
  }
  func.func @transform_2(%arg0: i32) -> (i32, i32) {
    %c0_i32 = arith.constant 0 : i32
    %c0_i32_0 = arith.constant 0 : i32
    %c0_i32_1 = arith.constant 0 : i32
    return %c0_i32, %c0_i32_0 : i32, i32
  }
  func.func @transform_3(%arg0: i32) -> (i32, i32) {
    %c0_i32 = arith.constant 0 : i32
    %c0_i32_0 = arith.constant 0 : i32
    return %arg0, %c0_i32 : i32, i32
  }
  func.func @transform_4(%arg0: i32) -> (i32, i32) {
    %c0_i32 = arith.constant 0 : i32
    %c0_i32_0 = arith.constant 0 : i32
    return %arg0, %c0_i32 : i32, i32
  }
  func.func @transform_5(%arg0: i32) -> i32 {
    %c0_i32 = arith.constant 0 : i32
    return %arg0 : i32
  }
}

module attributes {stable_mosaic.version = 14 : i64} {
  func.func @_tc2_body(%arg0: i32, %arg1: memref<512x32xf32, #tpu.memory_space<vmem>>, %arg2: memref<512x32xf32, #tpu.memory_space<vmem>>, %arg3: memref<512x32xf32, #tpu.memory_space<vmem>>, %arg4: memref<512x32xf32, #tpu.memory_space<vmem>>, %arg5: memref<512xf32, #tpu.memory_space<vmem>>, %arg6: memref<64x8xf32, #tpu.memory_space<vmem>>, %arg7: memref<1x64xf32, #tpu.memory_space<vmem>>, %arg8: memref<512x8xf32, #tpu.memory_space<vmem>>) attributes {dimension_semantics = [#tpu.dimension_semantics<arbitrary>], iteration_bounds = array<i64: 20>, scalar_prefetch = 0 : i64, scratch_operands = 0 : i64, tpu.core_type = #tpu.core_type<tc>, window_params = [{transform_indices = @transform_0, window_bounds = array<i64: 512, 32>}, {transform_indices = @transform_1, window_bounds = array<i64: 512, 32>}, {transform_indices = @transform_2, window_bounds = array<i64: 512, 32>}, {transform_indices = @transform_3, window_bounds = array<i64: 512, 32>}, {transform_indices = @transform_4, window_bounds = array<i64: 512>}, {pipeline_mode = #tpu.pipeline_mode<synchronous>, transform_indices = @transform_5, window_bounds = array<i64: 64, 8>}, {pipeline_mode = #tpu.pipeline_mode<synchronous>, transform_indices = @transform_6, window_bounds = array<i64: 1, 64>}, {transform_indices = @transform_7, window_bounds = array<i64: 512, 8>}]} {
    %get3A = arith.constant 0 : index
    %get3A_0 = vector.load %arg5[%get3A] : memref<512xf32, #tpu.memory_space<vmem>>, vector<512xf32>
    %broadcast_in_dim3A = vector.shape_cast %get3A_0 : vector<512xf32> to vector<512x1xf32>
    %get3A_1 = arith.constant 0 : index
    %get3A_2 = arith.constant 0 : index
    %get3A_3 = vector.load %arg1[%get3A_1, %get3A_2] : memref<512x32xf32, #tpu.memory_space<vmem>>, vector<512x32xf32>
    %get3A_4 = arith.constant 0 : index
    %get3A_5 = arith.constant 0 : index
    %get3A_6 = vector.load %arg3[%get3A_4, %get3A_5] : memref<512x32xf32, #tpu.memory_space<vmem>>, vector<512x32xf32>
    %add3A = arith.addf %get3A_3, %get3A_6 : vector<512x32xf32>
    %get3A_7 = arith.constant 0 : index
    %get3A_8 = arith.constant 0 : index
    %get3A_9 = vector.load %arg2[%get3A_7, %get3A_8] : memref<512x32xf32, #tpu.memory_space<vmem>>, vector<512x32xf32>
    %get3A_10 = arith.constant 0 : index
    %get3A_11 = arith.constant 0 : index
    %get3A_12 = vector.load %arg4[%get3A_10, %get3A_11] : memref<512x32xf32, #tpu.memory_space<vmem>>, vector<512x32xf32>
    %add3A_13 = arith.addf %get3A_9, %get3A_12 : vector<512x32xf32>
    %concatenate3A = tpu.concatenate %add3A, %add3A_13 in 1 : vector<512x32xf32>, vector<512x32xf32> -> vector<512x64xf32>
    %mul3A = vector.broadcast %broadcast_in_dim3A : vector<512x1xf32> to vector<512x64xf32>
    %mul3A_14 = arith.mulf %mul3A, %concatenate3A : vector<512x64xf32>
    %get3A_15 = arith.constant 0 : index
    %get3A_16 = arith.constant 0 : index
    %get3A_17 = vector.load %arg7[%get3A_15, %get3A_16] : memref<1x64xf32, #tpu.memory_space<vmem>>, vector<1x64xf32>
    %add3A_18 = vector.broadcast %get3A_17 : vector<1x64xf32> to vector<512x64xf32>
    %add3A_19 = arith.addf %mul3A_14, %add3A_18 : vector<512x64xf32>
    %max3A = arith.constant 0.000000e+00 : f32
    %max3A_20 = vector.broadcast %max3A : f32 to vector<512x64xf32>
    %max3A_21 = arith.maximumf %add3A_19, %max3A_20 : vector<512x64xf32>
    %get3A_22 = arith.constant 0 : index
    %get3A_23 = arith.constant 0 : index
    %get3A_24 = vector.load %arg6[%get3A_22, %get3A_23] : memref<64x8xf32, #tpu.memory_space<vmem>>, vector<64x8xf32>
    %dot_general3A = arith.constant dense<0.000000e+00> : vector<512x8xf32>
    %dot_general3A_25 = tpu.matmul %max3A_21, %get3A_24, %dot_general3A {dimension_numbers = #tpu.dot_dimension_numbers<[1], [0], [0], [1], [0, 0, 1, 1], [], []>, transpose_lhs_hint = false} : vector<512x64xf32>, vector<64x8xf32>, vector<512x8xf32> -> vector<512x8xf32>
    %mul3A_26 = vector.broadcast %broadcast_in_dim3A : vector<512x1xf32> to vector<512x8xf32>
    %mul3A_27 = arith.mulf %dot_general3A_25, %mul3A_26 : vector<512x8xf32>
    %swap3A = arith.constant 0 : index
    %swap3A_28 = arith.constant 0 : index
    %swap3A_29 = vector.load %arg8[%swap3A, %swap3A_28] : memref<512x8xf32, #tpu.memory_space<vmem>>, vector<512x8xf32>
    tpu.vector_store %arg8[%swap3A, %swap3A_28], %mul3A_27 {strides = array<i32>} : memref<512x8xf32, #tpu.memory_space<vmem>>, vector<512x8xf32>,
    return
  }
  func.func @transform_0(%arg0: i32) -> (i32, i32) {
    %c0_i32 = arith.constant 0 : i32
    %c0_i32_0 = arith.constant 0 : i32
    return %arg0, %c0_i32 : i32, i32
  }
  func.func @transform_1(%arg0: i32) -> (i32, i32) {
    %c0_i32 = arith.constant 0 : i32
    %c0_i32_0 = arith.constant 0 : i32
    return %arg0, %c0_i32 : i32, i32
  }
  func.func @transform_2(%arg0: i32) -> (i32, i32) {
    %c0_i32 = arith.constant 0 : i32
    %c0_i32_0 = arith.constant 0 : i32
    return %arg0, %c0_i32 : i32, i32
  }
  func.func @transform_3(%arg0: i32) -> (i32, i32) {
    %c0_i32 = arith.constant 0 : i32
    %c0_i32_0 = arith.constant 0 : i32
    return %arg0, %c0_i32 : i32, i32
  }
  func.func @transform_4(%arg0: i32) -> i32 {
    %c0_i32 = arith.constant 0 : i32
    return %arg0 : i32
  }
  func.func @transform_5(%arg0: i32) -> (i32, i32) {
    %c0_i32 = arith.constant 0 : i32
    %c0_i32_0 = arith.constant 0 : i32
    %c0_i32_1 = arith.constant 0 : i32
    return %c0_i32, %c0_i32_0 : i32, i32
  }
  func.func @transform_6(%arg0: i32) -> (i32, i32) {
    %c0_i32 = arith.constant 0 : i32
    %c0_i32_0 = arith.constant 0 : i32
    %c0_i32_1 = arith.constant 0 : i32
    return %c0_i32, %c0_i32_0 : i32, i32
  }
  func.func @transform_7(%arg0: i32) -> (i32, i32) {
    %c0_i32 = arith.constant 0 : i32
    %c0_i32_0 = arith.constant 0 : i32
    return %arg0, %c0_i32 : i32, i32
  }
}

module attributes {stable_mosaic.version = 14 : i64} {
  func.func @_tc3_body(%arg0: i32, %arg1: memref<512x8xf32, #tpu.memory_space<vmem>>, %arg2: memref<512x8xf32, #tpu.memory_space<vmem>>, %arg3: memref<512x8xf32, #tpu.memory_space<vmem>>, %arg4: memref<512xf32, #tpu.memory_space<vmem>>, %arg5: memref<1x8xf32, #tpu.memory_space<vmem>>, %arg6: memref<512x8xf32, #tpu.memory_space<vmem>>) attributes {dimension_semantics = [#tpu.dimension_semantics<arbitrary>], iteration_bounds = array<i64: 20>, scalar_prefetch = 0 : i64, scratch_operands = 0 : i64, tpu.core_type = #tpu.core_type<tc>, window_params = [{transform_indices = @transform_0, window_bounds = array<i64: 512, 8>}, {transform_indices = @transform_1, window_bounds = array<i64: 512, 8>}, {transform_indices = @transform_2, window_bounds = array<i64: 512, 8>}, {transform_indices = @transform_3, window_bounds = array<i64: 512>}, {pipeline_mode = #tpu.pipeline_mode<synchronous>, transform_indices = @transform_4, window_bounds = array<i64: 1, 8>}, {transform_indices = @transform_5, window_bounds = array<i64: 512, 8>}]} {
    %get3A = arith.constant 0 : index
    %get3A_0 = vector.load %arg4[%get3A] : memref<512xf32, #tpu.memory_space<vmem>>, vector<512xf32>
    %broadcast_in_dim3A = vector.shape_cast %get3A_0 : vector<512xf32> to vector<512x1xf32>
    %get3A_1 = arith.constant 0 : index
    %get3A_2 = arith.constant 0 : index
    %get3A_3 = vector.load %arg1[%get3A_1, %get3A_2] : memref<512x8xf32, #tpu.memory_space<vmem>>, vector<512x8xf32>
    %get3A_4 = arith.constant 0 : index
    %get3A_5 = arith.constant 0 : index
    %get3A_6 = vector.load %arg2[%get3A_4, %get3A_5] : memref<512x8xf32, #tpu.memory_space<vmem>>, vector<512x8xf32>
    %add3A = arith.addf %get3A_3, %get3A_6 : vector<512x8xf32>
    %get3A_7 = arith.constant 0 : index
    %get3A_8 = arith.constant 0 : index
    %get3A_9 = vector.load %arg3[%get3A_7, %get3A_8] : memref<512x8xf32, #tpu.memory_space<vmem>>, vector<512x8xf32>
    %add3A_10 = arith.addf %add3A, %get3A_9 : vector<512x8xf32>
    %mul3A = vector.broadcast %broadcast_in_dim3A : vector<512x1xf32> to vector<512x8xf32>
    %mul3A_11 = arith.mulf %mul3A, %add3A_10 : vector<512x8xf32>
    %get3A_12 = arith.constant 0 : index
    %get3A_13 = arith.constant 0 : index
    %get3A_14 = vector.load %arg5[%get3A_12, %get3A_13] : memref<1x8xf32, #tpu.memory_space<vmem>>, vector<1x8xf32>
    %add3A_15 = vector.broadcast %get3A_14 : vector<1x8xf32> to vector<512x8xf32>
    %add3A_16 = arith.addf %mul3A_11, %add3A_15 : vector<512x8xf32>
    %swap3A = arith.constant 0 : index
    %swap3A_17 = arith.constant 0 : index
    %swap3A_18 = vector.load %arg6[%swap3A, %swap3A_17] : memref<512x8xf32, #tpu.memory_space<vmem>>, vector<512x8xf32>
    tpu.vector_store %arg6[%swap3A, %swap3A_17], %add3A_16 {strides = array<i32>} : memref<512x8xf32, #tpu.memory_space<vmem>>, vector<512x8xf32>,
    return
  }
  func.func @transform_0(%arg0: i32) -> (i32, i32) {
    %c0_i32 = arith.constant 0 : i32
    %c0_i32_0 = arith.constant 0 : i32
    return %arg0, %c0_i32 : i32, i32
  }
  func.func @transform_1(%arg0: i32) -> (i32, i32) {
    %c0_i32 = arith.constant 0 : i32
    %c0_i32_0 = arith.constant 0 : i32
    return %arg0, %c0_i32 : i32, i32
  }
  func.func @transform_2(%arg0: i32) -> (i32, i32) {
    %c0_i32 = arith.constant 0 : i32
    %c0_i32_0 = arith.constant 0 : i32
    return %arg0, %c0_i32 : i32, i32
  }
  func.func @transform_3(%arg0: i32) -> i32 {
    %c0_i32 = arith.constant 0 : i32
    return %arg0 : i32
  }
  func.func @transform_4(%arg0: i32) -> (i32, i32) {
    %c0_i32 = arith.constant 0 : i32
    %c0_i32_0 = arith.constant 0 : i32
    %c0_i32_1 = arith.constant 0 : i32
    return %c0_i32, %c0_i32_0 : i32, i32
  }
  func.func @transform_5(%arg0: i32) -> (i32, i32) {
    %c0_i32 = arith.constant 0 : i32
    %c0_i32_0 = arith.constant 0 : i32
    return %arg0, %c0_i32 : i32, i32
  }
}

</mosaic_0001>

<sc_bundles>
// kernel: kernel.11.cloned.1.call-start
scs
__scs_entry_jumppad:
0x0: {  	(pc) =	sbr.rel $0x88, $3  }
0x1: {  	(tag) =	ssettag $0x0;
	lr =	simm.s32 $0x1  }
0x2: {  	[smem:$0x3F9B] =	sst lr;
	_ =	strace $0xD0000000  }
0x3: {  	_ = 	snop  }
0x4: {  	_ = 	snop  }
0x5: {  	_ = 	snop  }
0x6: {  	_ = 	snop  }
0x7: {  	_ = 	snop  }
__scs_overlays_trampoline_lowered:
0x8: {  	[smem:$0x3FAA] =	sst s0  }
0x9: {  	[smem:$0x3FAB] =	sst s1  }
0xa: {  	[smem:$0x3FAC] =	sst s2  }
0xb: {  	[smem:$0x3FAD] =	sst s3  }
0xc: {  	[smem:$0x3FAE] =	sst s4  }
0xd: {  	[smem:$0x3FAF] =	sst s5  }
0xe: {  	[smem:$0x3FB0] =	sst s6  }
0xf: {  	[smem:$0x3FB1] =	sst s7  }
0x10: {  	[smem:$0x3FB2] =	sst s8  }
0x11: {  	[smem:$0x3FB3] =	sst s9;
	s0 =	simm.s32 @!p0 $0x0  }
0x12: {  	s1 =	sld [smem:$0x3F99];
	s0 =	simm.s32 @p0 $0x1  }
0x13: {  	[smem:$0x3FB4] =	sst s0;
	s0 =	simm.s32 @!p1 $0x0  }
0x14: {  	s2 =	sld [smem:$0x3F98];
	s0 =	simm.s32 @p1 $0x1  }
0x15: {  	[smem:$0x3FB5] =	sst s0;
	s0 =	simm.s32 @!p2 $0x0  }
0x16: {  	s3 =	sld [smem:$0x3FDB];
	s0 =	simm.s32 @p2 $0x1  }
0x17: {  	s4 =	simm.s32 $0x1BF5;
	[smem:$0x3FB7] =	sst s0  }
0x18: {  	s0 =	sld [smem:$0x3F9A];
	_ =	swait.ge [sflag:s4], $0x0  }
0x19: {  	s7 =	sld [smem:$0x3F9B]  }
0x1a: {  	s8 =	sadd.s32 $0xFFFFE003, lr  }
0x1b: {  	s9 =	sadd.s32 $0xFFFFFEF7, lr;
	s5 =	simm.s32 $0xFFFFFFFF;
	p2 =	slt.u32 s8, $0xFFFFF086  }
0x1c: {  	p1 =	slt.u32 s9, $0xF7A;
	s5 =	simm.s32 @!p2 $0x0  }
0x1d: {  	s5 =	simm.s32 @p1 $0x1;
	p0 =	seq.s32 s7, s2  }
0x1e: {  	s7 =	smul.u32 @!p0 $0xF7A, s2;
	p2 =	seq.s32 @!p0 s5, $0x0  }
0x1f: {  	s9 =	smul.u32 $0xF7A, s1;
	s8 =	simm.s32 @!p0 $0x1BF5;
	p2 =	por !p2, p0  }
0x20: {  	[sflag:s8] =	ssyncset.s32 @!p0 $0xFFFFF086;
	s6 =	sadd.s32 @!p0 s3, s7;
	s7 =	simm.s32 @!p0 $0x108  }
0x21: {  	s3 =	sadd.s32 s3, s9;
	s6 =	sadd.s32 @!p0 $0x88, s6;
	s7 =	simm.s32 @p2 $0x1082  }
0x22: {  	[simem:s7], [sflag:s8] =	dma.local @!p0 [hbm:s6], $0xF7A  }
0x23: {  	s9 =	sor.u32 $0xD0000000, s2;
	s6 =	simm.s32 $0x108;
	_ =	swait.ge @!p0 [sflag:s8], $0x0  }
0x24: {  	s3 =	sadd.s32 $0x88, s3;
	s6 =	simm.s32 @!p1 $0x1082;
	[sflag:s4] =	ssyncset.s32 $0xFFFFF086  }
0x25: {  	[simem:s6], [sflag:s4] =	dma.local [hbm:s3], $0xF7A  }
0x26: {  	[smem:$0x3F9B] =	sst s1;
	(tag) =	ssettag s2;
	_ =	strace s9  }
0x27: {  	s1 =	sld [smem:$0x3FAB]  }
0x28: {  	s2 =	sld [smem:$0x3FAC]  }
0x29: {  	s4 =	sld [smem:$0x3FAE]  }
0x2a: {  	p0 =	seq.s32 s5, $0x0;
	s5 =	sld [smem:$0x3FAF]  }
0x2b: {  	s6 =	sld [smem:$0x3FB0]  }
0x2c: {  	s7 =	sld [smem:$0x3FB1]  }
0x2d: {  	s3 =	simm.s32 $0x108;
	s8 =	sld [smem:$0x3FB2]  }
0x2e: {  	s3 =	simm.s32 @!p0 $0x1082;
	s9 =	sld [smem:$0x3FB3]  }
0x2f: {  	lr =	sadd.s32 s0, s3;
	s0 =	sld [smem:$0x3FAA]  }
0x30: {  	s3 =	sld [smem:$0x3FAD]  }
0x31: {  	[smem:$0x3FB6] =	sst s10  }
0x32: {  	s10 =	sld [smem:$0x3FB4];
	_ =	sdelay $0x3  }
0x33: {  	p0 =	seq.s32 s10, $0x1;
	s10 =	sld [smem:$0x3FB6];
	_ =	sdelay $0x3  }
0x34: {  	[smem:$0x3FB6] =	sst s10  }
0x35: {  	s10 =	sld [smem:$0x3FB5];
	_ =	sdelay $0x3  }
0x36: {  	p1 =	seq.s32 s10, $0x1;
	s10 =	sld [smem:$0x3FB6];
	_ =	sdelay $0x3  }
0x37: {  	[smem:$0x3FB6] =	sst s10  }
0x38: {  	s10 =	sld [smem:$0x3FB7]  }
0x39: {  	_ = 	snop;
	(pc) =	sbr.ind lr, $3  }
0x3a: {  	_ = 	snop  }
0x3b: {  	_ = 	snop  }
0x3c: {  	p2 =	seq.s32 s10, $0x1;
	s10 =	sld [smem:$0x3FB6]  }
0x3d: {  	_ =	shalt  }
0x3e: {  	_ =	shalt  }
0x3f: {  	_ =	shalt  }
0x40: {  	_ =	shalt  }
0x41: {  	_ =	shalt  }
0x42: {  	_ =	shalt  }
0x43: {  	_ =	shalt  }
0x44: {  	_ =	shalt  }
0x45: {  	_ =	shalt  }
0x46: {  	_ =	shalt  }
0x47: {  	_ =	shalt  }
0x48: {  	_ =	shalt  }
0x49: {  	_ =	shalt  }
0x4a: {  	_ =	shalt  }
0x4b: {  	_ =	shalt  }
0x4c: {  	_ =	shalt  }
0x4d: {  	_ =	shalt  }
0x4e: {  	_ =	shalt  }
0x4f: {  	_ =	shalt  }
0x50: {  	_ =	shalt  }
0x51: {  	_ =	shalt  }
0x52: {  	_ =	shalt  }
0x53: {  	_ =	shalt  }
0x54: {  	_ =	shalt  }
0x55: {  	_ =	shalt  }
0x56: {  	_ =	shalt  }
0x57: {  	_ =	shalt  }
0x58: {  	_ =	shalt  }
0x59: {  	_ =	shalt  }
0x5a: {  	_ =	shalt  }
0x5b: {  	_ =	shalt  }
0x5c: {  	_ =	shalt  }
0x5d: {  	_ =	shalt  }
0x5e: {  	_ =	shalt  }
0x5f: {  	_ =	shalt  }
0x60: {  	_ =	shalt  }
0x61: {  	_ =	shalt  }
0x62: {  	_ =	shalt  }
0x63: {  	_ =	shalt  }
0x64: {  	_ =	shalt  }
0x65: {  	_ =	shalt  }
0x66: {  	_ =	shalt  }
0x67: {  	_ =	shalt  }
0x68: {  	_ =	shalt  }
0x69: {  	_ =	shalt  }
0x6a: {  	_ =	shalt  }
0x6b: {  	_ =	shalt  }
0x6c: {  	_ =	shalt  }
0x6d: {  	_ =	shalt  }
0x6e: {  	_ =	shalt  }
0x6f: {  	_ =	shalt  }
0x70: {  	_ =	shalt  }
0x71: {  	_ =	shalt  }
0x72: {  	_ =	shalt  }
0x73: {  	_ =	shalt  }
0x74: {  	_ =	shalt  }
0x75: {  	_ =	shalt  }
0x76: {  	_ =	shalt  }
0x77: {  	_ =	shalt  }
0x78: {  	_ =	shalt  }
0x79: {  	_ =	shalt  }
0x7a: {  	_ =	shalt  }
0x7b: {  	_ =	shalt  }
0x7c: {  	_ =	shalt  }
0x7d: {  	_ =	shalt  }
0x7e: {  	_ =	shalt  }
0x7f: {  	_ =	shalt  }
0x80: {  	_ =	shalt  }
0x81: {  	_ =	shalt  }
0x82: {  	_ =	shalt  }
0x83: {  	_ =	shalt  }
0x84: {  	_ =	shalt  }
0x85: {  	_ =	shalt  }
0x86: {  	_ =	shalt  }
0x87: {  	_ =	shalt  }
.Lfunc_end0:
.L_simem_size_0:
called_computation.1_lowered:
.L_overlay_start_0:
0x88: {  	s2 =	sld [smem:$0x3FD9]  }
0x89: {  	s3 =	sld [smem:$0x3FFE];
	_ =	sdelay $0x1  }
0x8a: {  	s1 =	srdreg.scid  }
0x8b: {  	s0 =	sand.u32 $0x1, s1  }
0x8c: {  	s16 =	sshll.u32 s0, $0xA;
	s2 =	sadd.s32 s3, s2  }
0x8d: {  	s2 =	sadd.s32 s2, s16  }
0x8e: {  	[smem:$0x3FC2] =	sst s2  }
0x8f: {  	_ = 	snop  }
0x90: {  	(tm) =	ssettm $0x1  }
0x91: {  	s17 =	sld [smem:$0x3FFB];
	_ =	sdelay $0x3  }
0x92: {  	_ =	strace s17  }
0x93: {  	s2 =	sld [smem:$0x3FFC];
	_ =	sdelay $0x3  }
0x94: {  	_ =	strace s2  }
0x95: {  	s2 =	sld [smem:$0x3FFD];
	_ =	sdelay $0x3  }
0x96: {  	_ =	strace s2  }
0x97: {  	_ =	strace $0x8FFFFFFF  }
0x98: {  	s18 =	sld [smem:$0x3FDB];
	_ =	sdelay $0x1  }
0x99: {  	s19 =	simm.s32 $_scs_section_size  }
0x9a: {  	s4 =	simm.s32 $_size__tile_overlayer_lowered;
	s5 =	simm.s32 $_tile_overlayer_lowered  }
0x9b: {  	s22 =	simm.s32 $0x1BFF;
	s21 =	sshll.u32 s5, $0x1;
	s2 =	sadd.s32 s19, s18  }
0x9c: {  	s6 =	simm.s32 $0x0;
	s20 =	sshll.u32 s4, $0x1;
	s4 =	sadd.s32 s21, s2  }
0x9d: {  	[timem:s6], [sflag:s22] =	dma.local [hbm:s4], s20  }
0x9e: {  	_ =	swait.ge [sflag:s22], s20  }
0x9f: {  	s3 =	ssub.s32 $0x0, s20;
	[sflag:s22] =	ssyncset.done $0x0  }
0xa0: {  	[sflag:s22] =	ssyncadd.s32 s3;
	_ =	sdelay $0x1  }
0xa1: {  	s23 =	simm.s32 $0x1B8B  }
0xa2: {  	_ =	swait.ge [sflag:s23], $0x1  }
0xa3: {  	[sflag:s23] =	ssyncset.done $0x0  }
0xa4: {  	s25 =	simm.s32 $0x1B8E;
	s24 =	sld [smem:$0x3FFE];
	[sflag:s23] =	ssyncadd.s32 $0xFFFFFFFF  }
0xa5: {  	s26 =	simm.s32 $execute0_lowered;
	[smem:$0x3FD2] =	sst s25  }
0xa6: {  	s4 =	sshll.u32 s26, $0x1;
	_ =	strace $0x80000049;
	[dreg:$0x1] =	wrdreg $0xFFFFFFFF  }
0xa7: {  	s28 =	simm.s32 $_size_execute0_lowered;
	s2 =	sadd.s32 s2, s4;
	[dreg:$0x0] =	wrdreg $0x0  }
0xa8: {  	s4 =	sshll.u32 s28, $0x1;
	[dreg:$0x2] =	wrdreg s2  }
0xa9: {  	[dreg:$0x3] =	wrdreg s4  }
0xaa: {  	[dreg:$0x4] =	wrdreg $0xC0  }
0xab: {  	_ =	task [dreg:s6], $0x5FFFF  }
0xac: {  	[dreg:$0x1] =	wrdreg $0xFFFFFFFF  }
0xad: {  	[dreg:$0x0] =	wrdreg $0x60  }
0xae: {  	[dreg:$0x2] =	wrdreg s24  }
0xaf: {  	[dreg:$0x3] =	wrdreg $0xE0000  }
0xb0: {  	[dreg:$0x4] =	wrdreg $0x130000  }
0xb1: {  	[dreg:$0x5] =	wrdreg $0x9  }
0xb2: {  	_ =	task.clear_ibuf [dreg:s6], $0x6FFFF;
	_ =	strace $0x90000049  }
0xb3: {  	s29 =	simm.s32 $0x9;
	_ =	strace $0x8000004B  }
0xb4: {  	_ =	swait.ge [sflag:s29], $0x1  }
0xb5: {  	[sflag:s29] =	ssyncadd.s32 $0xFFFFFFFF  }
0xb6: {  	_ =	strace $0x9000004B  }
0xb7: {  	_ =	sfence  }
0xb8: {  	s30 =	sld [smem:$0x0];
	_ =	sdelay $0x2  }
0xb9: {  	s31 =	sshll.u32 s1, $0xD;
	s1 =	sshrl.u32 s1, $0x2  }
0xba: {  	s3 =	sand.u32 $0x4000, s31;
	s1 =	sadd.s32 s1, s30  }
0xbb: {  	s0 =	sor.u32 s3, s0;
	s1 =	sshll.u32 s1, $0x11  }
0xbc: {  	s0 =	sor.u32 s1, s0  }
0xbd: {  	s0 =	sadd.s32 $0x8F2B, s0  }
0xbe: {  	[sflag:s0] =	ssyncadd.remote.s32 $0x1  }
0xbf: {  	_ =	sfence.sel $0xFFFF  }
0xc0: {  	[dreg:$0x0] =	wrdreg $0xFFFFFFFF;
	(pc) =	sbr.abs _section_cstart, $3  }
0xc1: {  	[dreg:$0x1] =	wrdreg $0xFFFFFFFF  }
0xc2: {  	_ =	task.clear_ibuf [dreg:s6], $0x2FFFF;
	_ =	strace $0x9FFFFFFF  }
0xc3: {  	(tm) =	ssettm $0x7FFFFFFF  }
tec
execute0_lowered:
.L_overlay_start_1:
0x0: {  	(tag) =	ssettag $0x1  }
0x1: {  	s0 =	rddreg [dreg:$0x0]  }
0x2: {  	s2 =	rddreg [dreg:$0x1]  }
0x3: {  	s3 =	rddreg [dreg:$0x2];
	s4 =	simm.s32 $0x0  }
0x4: {  	s9 =	stileid.u32;
	s7 =	srdreg.scid;
	s16 =	simm.s32 $0x48400  }
0x5: {  	s17 =	simm.s32 $0x5000;
	s18 =	simm.s32 $0x2;
	s19 =	simm.s32 $0x80  }
0x6: {  	s20 =	simm.s32 $0xA000;
	s21 =	simm.s32 $0xB000;
	s22 =	simm.s32 $0x1  }
0x7: {  	s24 =	simm.s32 $0xC000;
	s28 =	simm.s32 $0x5080;
	s29 =	simm.s32 $0x200  }
0x8: {  	s30 =	simm.s32 $0x5100;
	s31 =	simm.s32 $0x280;
	s1 =	smul.u32 $0x5000, s9  }
0x9: {  	[smem:$0x7FF] =	sst s4;
	s6 =	smul.u32 $0xA00, s9;
	s7 =	sand.u32 $0x1, s7  }
0xa: {  	s10 =	sadd.s32 $0x66400, s0;
	_ =	strace $0x8000004A;
	s8 =	ssub.s32 $0x2, s7  }
0xb: {  	[dreg:$0x4] =	wrdreg s10;
	p0 =	seq.s32 s7, $0x0;
	s5 =	sshrl.u32 s1, $0x3  }
0xc: {  	s6 =	sadd.s32 s6, s0;
	s26 =	sshrl.u32 s8, $0x1;
	s15 =	sadd.s32 s1, s2  }
0xd: {  	s1 =	sadd.s32 s1, s3;
	s16 =	simm.s32 @!p0 $0xC400;
	p0 =	sne.s32 s7, $0x0  }
0xe: {  	s14 =	sadd.s32 s5, s0;
	s0 =	sadd.s32 $0x5C400, s0;
	s11 =	sadd.s32 $0x16400, s6  }
.Ltmp0:
0xf: {  	s12 =	sadd.s32 $0x2400, s6;
	s15 =	sshrl.u32 s15, $0x3;
	(pc) =	sbr.rel .LBB2_1-.Ltmp0, $4  }
0x10: {  	s6 =	simm.s32 $0x0;
	[dreg:$0x5] =	wrdreg s0;
	s0 =	ssub.s32 s8, s26  }
0x11: {  	s8 =	sshll.u32 s9, $0x6;
	s9 =	sadd.s32 $0x52400, s14;
	s14 =	sadd.s32 s16, s14  }
0x12: {  	s16 =	sshrl.u32 s1, $0x3;
	s26 =	simm.s32 $0xD000;
	s1 =	simm.s32 $0x3  }
0x13: {  	s10 =	sor.u32 $0x1C02, s8;
	s13 =	smax.u32 s0, $0x1;
	s0 =	simm.s32 $0x5180  }
.LBB2_9:
0x14: {  	s25 =	sadd.s32 $0xC00, s7;
	s23 =	sadd.s32 $0xE00, s7;
	s7 =	rddreg [dreg:$0x5]  }
.LBB2_10:
0x15: {  	s25 =	sshra.s32 s25, $0x2  }
0x16: {  	s25 =	sadd.s32 $0x5000, s25  }
0x17: {  	[spmem:s2] =	stream.indirect.scatter.add.f32 [tilespmem:s24], [sflag:$0x2], $0x20, s25, s19, $0xb8;
	[tilespmem:$0x18000] =	vst v63  }
0x18: {  	_ =	swait.ge [sflag:s22], $0x1000  }
0x19: {  	[sflag:s22] =	ssyncset.done $0x0  }
0x1a: {  	[sflag:s22] =	ssyncadd.s32 $0xFFFFF000  }
0x1b: {  	_ =	swait.ge [sflag:s18], $0x1000  }
0x1c: {  	s23 =	sshra.s32 s23, $0x2;
	[sflag:s18] =	ssyncset.done $0x0  }
0x1d: {  	s23 =	sadd.s32 $0x5000, s23;
	[sflag:s18] =	ssyncadd.s32 $0xFFFFF000  }
0x1e: {  	[spmem:s2] =	stream.indirect.scatter.add.f32 [tilespmem:s26], [sflag:$0x2], $0x20, s23, s19, $0xb8;
	[tilespmem:$0x18000] =	vst v63  }
0x1f: {  	_ =	swait.ge [sflag:s18], $0x1000  }
0x20: {  	[sflag:s18] =	ssyncset.done $0x0  }
0x21: {  	[sflag:s18] =	ssyncadd.s32 $0xFFFFF000  }
0x22: {  	_ =	swait.ge [sflag:s18], $0x1000  }
0x23: {  	s6 =	sadd.s32 $0x1, s6;
	[sflag:s18] =	ssyncset.done $0x0  }
0x24: {  	s7 =	sadd.s32 s7, s5;
	p1 =	sne.s32 s6, s13;
	[sflag:s18] =	ssyncadd.s32 $0xFFFFF000  }
.Ltmp1:
0x25: {  	s25 =	sor.u32 $0x1C03, s8;
	[bflag:$0x0] =	sbarrier.arrive $0xFFFF;
	(pc) =	sbr.rel @!p1 .LBB2_11-.Ltmp1, $4  }
0x26: {  	[hbm:s7], [sflag:s25] =	dma.local [spmem:s15], $0xA00  }
0x27: {  	_ =	swait.ge [sflag:s1], $0xA00  }
0x28: {  	[sflag:s1] =	ssyncset.done $0x0  }
0x29: {  	[sflag:s1] =	ssyncadd.s32 $0xFFFFF600  }
.LBB2_1:
0x2a: {  	[spmem:s15], [sflag:s10] =	dma.local [hbm:s9], $0xA00  }
0x2b: {  	[spmem:s16], [sflag:s10] =	dma.local [hbm:s14], $0xA00  }
0x2c: {  	[tilespmem:s4], [sflag:$0x2] =	stream.linear.gather [hbm4b:s11+s4], $0x5000, $0x38;
	[tilespmem:$0x18000] =	vst v63  }
0x2d: {  	_ = 	snop  }
0x2e: {  	[tilespmem:s17], [sflag:$0x2] =	stream.linear.gather [hbm4b:s12+s4], $0x5000, $0x38;
	[tilespmem:$0x18000] =	vst v63  }
0x2f: {  	_ =	swait.ge [sflag:s18], $0xA00  }
0x30: {  	[sflag:s18] =	ssyncset.done $0x0  }
0x31: {  	[sflag:s18] =	ssyncadd.s32 $0xFFFFF600  }
0x32: {  	_ =	swait.ge [sflag:s18], $0xA00  }
0x33: {  	[sflag:s18] =	ssyncset.done $0x0  }
0x34: {  	[sflag:s18] =	ssyncadd.s32 $0xFFFFF600  }
0x35: {  	_ =	swait.ge [sflag:s18], $0x5000  }
0x36: {  	[sflag:s18] =	ssyncset.done $0x0  }
0x37: {  	[sflag:s18] =	ssyncadd.s32 $0xFFFFB000  }
0x38: {  	_ =	swait.ge [sflag:s18], $0x5000  }
0x39: {  	[sflag:s18] =	ssyncset.done $0x0  }
0x3a: {  	[sflag:s18] =	ssyncadd.s32 $0xFFFFB000  }
0x3b: {  	[bflag:$0x0] =	sbarrier.arrive $0xFFFF  }
0x3c: {  	[tilespmem:s20], [sflag:$0x1] =	stream.indirect.gather [spmem:s3], $0x20, s4, s19, $0xb8;
	[tilespmem:$0x18000] =	vst v63  }
.Ltmp2:
0x3d: {  	_ = 	snop;
	(pc) =	sbr.rel @p0 .LBB2_5-.Ltmp2, $4  }
0x3e: {  	[tilespmem:s21], [sflag:$0x1] =	stream.indirect.gather [spmem:s3], $0x20, s19, s19, $0xb8;
	[tilespmem:$0x18000] =	vst v63  }
0x3f: {  	_ =	swait.ge [sflag:s22], $0x1000  }
0x40: {  	[sflag:s22] =	ssyncset.done $0x0  }
0x41: {  	s7 =	simm.s32 $0x100;
	[sflag:s22] =	ssyncadd.s32 $0xFFFFF000  }
0x42: {  	[tilespmem:s24], [sflag:$0x1] =	stream.indirect.gather [spmem:s3], $0x20, s7, s19, $0xb8;
	[tilespmem:$0x18000] =	vst v63  }
0x43: {  	_ = 	snop  }
0x44: {  	[spmem:s2] =	stream.indirect.scatter.add.f32 [tilespmem:s20], [sflag:$0x2], $0x20, s17, s19, $0xb8;
	[tilespmem:$0x18000] =	vst v63  }
0x45: {  	_ =	swait.ge [sflag:s22], $0x1000  }
0x46: {  	[sflag:s22] =	ssyncset.done $0x0  }
0x47: {  	s25 =	simm.s32 $0x180;
	[sflag:s22] =	ssyncadd.s32 $0xFFFFF000  }
0x48: {  	[tilespmem:s26], [sflag:$0x1] =	stream.indirect.gather [spmem:s3], $0x20, s25, s19, $0xb8;
	[tilespmem:$0x18000] =	vst v63  }
0x49: {  	_ = 	snop  }
0x4a: {  	[spmem:s2] =	stream.indirect.scatter.add.f32 [tilespmem:s21], [sflag:$0x2], $0x20, s28, s19, $0xb8;
	[tilespmem:$0x18000] =	vst v63  }
0x4b: {  	_ =	swait.ge [sflag:s22], $0x1000  }
0x4c: {  	[sflag:s22] =	ssyncset.done $0x0  }
0x4d: {  	[sflag:s22] =	ssyncadd.s32 $0xFFFFF000  }
0x4e: {  	_ =	swait.ge [sflag:s18], $0x1000  }
0x4f: {  	[sflag:s18] =	ssyncset.done $0x0  }
0x50: {  	[sflag:s18] =	ssyncadd.s32 $0xFFFFF000  }
0x51: {  	[tilespmem:s20], [sflag:$0x1] =	stream.indirect.gather [spmem:s3], $0x20, s29, s19, $0xb8;
	[tilespmem:$0x18000] =	vst v63  }
0x52: {  	_ = 	snop  }
0x53: {  	[spmem:s2] =	stream.indirect.scatter.add.f32 [tilespmem:s24], [sflag:$0x2], $0x20, s30, s19, $0xb8;
	[tilespmem:$0x18000] =	vst v63  }
0x54: {  	_ =	swait.ge [sflag:s22], $0x1000  }
0x55: {  	[sflag:s22] =	ssyncset.done $0x0  }
0x56: {  	[sflag:s22] =	ssyncadd.s32 $0xFFFFF000  }
0x57: {  	_ =	swait.ge [sflag:s18], $0x1000  }
0x58: {  	[sflag:s18] =	ssyncset.done $0x0  }
0x59: {  	[sflag:s18] =	ssyncadd.s32 $0xFFFFF000  }
0x5a: {  	[tilespmem:s21], [sflag:$0x1] =	stream.indirect.gather [spmem:s3], $0x20, s31, s19, $0xb8;
	[tilespmem:$0x18000] =	vst v63  }
0x5b: {  	s7 =	simm.s32 $0x0  }
0x5c: {  	[spmem:s2] =	stream.indirect.scatter.add.f32 [tilespmem:s26], [sflag:$0x2], $0x20, s0, s19, $0xb8;
	[tilespmem:$0x18000] =	vst v63  }
.LBB2_3:
0x5d: {  	_ =	swait.ge [sflag:s22], $0x1000  }
0x5e: {  	[sflag:s22] =	ssyncset.done $0x0  }
0x5f: {  	[sflag:s22] =	ssyncadd.s32 $0xFFFFF000  }
0x60: {  	_ =	swait.ge [sflag:s18], $0x1000  }
0x61: {  	s23 =	sshra.s32 s7, $0x2;
	[sflag:s18] =	ssyncset.done $0x0  }
0x62: {  	s25 =	sadd.s32 $0x300, s23;
	[sflag:s18] =	ssyncadd.s32 $0xFFFFF000  }
0x63: {  	[tilespmem:s24], [sflag:$0x1] =	stream.indirect.gather [spmem:s3], $0x20, s25, s19, $0xb8;
	[tilespmem:$0x18000] =	vst v63  }
0x64: {  	s25 =	sadd.s32 $0x5200, s23  }
0x65: {  	[spmem:s2] =	stream.indirect.scatter.add.f32 [tilespmem:s20], [sflag:$0x2], $0x20, s25, s19, $0xb8;
	[tilespmem:$0x18000] =	vst v63  }
0x66: {  	_ =	swait.ge [sflag:s22], $0x1000  }
0x67: {  	[sflag:s22] =	ssyncset.done $0x0  }
0x68: {  	[sflag:s22] =	ssyncadd.s32 $0xFFFFF000  }
0x69: {  	_ =	swait.ge [sflag:s18], $0x1000  }
0x6a: {  	[sflag:s18] =	ssyncset.done $0x0  }
0x6b: {  	s25 =	sadd.s32 $0x380, s23;
	[sflag:s18] =	ssyncadd.s32 $0xFFFFF000  }
0x6c: {  	[tilespmem:s26], [sflag:$0x1] =	stream.indirect.gather [spmem:s3], $0x20, s25, s19, $0xb8;
	[tilespmem:$0x18000] =	vst v63  }
0x6d: {  	s25 =	sadd.s32 $0x5280, s23  }
0x6e: {  	[spmem:s2] =	stream.indirect.scatter.add.f32 [tilespmem:s21], [sflag:$0x2], $0x20, s25, s19, $0xb8;
	[tilespmem:$0x18000] =	vst v63  }
0x6f: {  	p1 =	seq.s32 s7, $0x13000;
	_ =	swait.ge [sflag:s22], $0x1000  }
.Ltmp3:
0x70: {  	[sflag:s22] =	ssyncset.done $0x0;
	(pc) =	sbr.rel @p1 .LBB2_8-.Ltmp3, $4  }
0x71: {  	[sflag:s22] =	ssyncadd.s32 $0xFFFFF000  }
0x72: {  	_ =	swait.ge [sflag:s18], $0x1000  }
0x73: {  	[sflag:s18] =	ssyncset.done $0x0  }
0x74: {  	[sflag:s18] =	ssyncadd.s32 $0xFFFFF000  }
0x75: {  	s25 =	sadd.s32 $0x400, s23  }
0x76: {  	[tilespmem:s20], [sflag:$0x1] =	stream.indirect.gather [spmem:s3], $0x20, s25, s19, $0xb8;
	[tilespmem:$0x18000] =	vst v63  }
0x77: {  	s25 =	sadd.s32 $0x5300, s23  }
0x78: {  	[spmem:s2] =	stream.indirect.scatter.add.f32 [tilespmem:s24], [sflag:$0x2], $0x20, s25, s19, $0xb8;
	[tilespmem:$0x18000] =	vst v63  }
0x79: {  	_ =	swait.ge [sflag:s22], $0x1000  }
0x7a: {  	[sflag:s22] =	ssyncset.done $0x0  }
0x7b: {  	[sflag:s22] =	ssyncadd.s32 $0xFFFFF000  }
0x7c: {  	_ =	swait.ge [sflag:s18], $0x1000  }
.Ltmp4:
0x7d: {  	[sflag:s18] =	ssyncset.done $0x0;
	(pc) =	sbr.rel .LBB2_3-.Ltmp4, $4  }
0x7e: {  	s25 =	sadd.s32 $0x480, s23;
	[sflag:s18] =	ssyncadd.s32 $0xFFFFF000  }
0x7f: {  	[tilespmem:s21], [sflag:$0x1] =	stream.indirect.gather [spmem:s3], $0x20, s25, s19, $0xb8;
	[tilespmem:$0x18000] =	vst v63  }
0x80: {  	s7 =	sadd.s32 $0x800, s7;
	s25 =	sadd.s32 $0x5380, s23  }
0x81: {  	[spmem:s2] =	stream.indirect.scatter.add.f32 [tilespmem:s26], [sflag:$0x2], $0x20, s25, s19, $0xb8;
	[tilespmem:$0x18000] =	vst v63  }
.LBB2_5:
0x82: {  	[tilespmem:s24], [sflag:$0x1] =	stream.indirect.gather [spmem:s3], $0x20, s7, s19, $0xb8;
	[tilespmem:$0x18000] =	vst v63  }
0x83: {  	_ = 	snop  }
0x84: {  	[spmem:s2] =	stream.indirect.scatter.add.f32 [tilespmem:s20], [sflag:$0x2], $0x20, s17, s19, $0xb8;
	[tilespmem:$0x18000] =	vst v63  }
0x85: {  	_ =	swait.ge [sflag:s22], $0x1000  }
0x86: {  	[sflag:s22] =	ssyncset.done $0x0  }
0x87: {  	s25 =	simm.s32 $0x180;
	[sflag:s22] =	ssyncadd.s32 $0xFFFFF000  }
0x88: {  	[tilespmem:s26], [sflag:$0x1] =	stream.indirect.gather [spmem:s3], $0x20, s25, s19, $0xb8;
	[tilespmem:$0x18000] =	vst v63  }
0x89: {  	_ = 	snop  }
0x8a: {  	[spmem:s2] =	stream.indirect.scatter.add.f32 [tilespmem:s21], [sflag:$0x2], $0x20, s28, s19, $0xb8;
	[tilespmem:$0x18000] =	vst v63  }
0x8b: {  	_ =	swait.ge [sflag:s22], $0x1000  }
0x8c: {  	[sflag:s22] =	ssyncset.done $0x0  }
0x8d: {  	[sflag:s22] =	ssyncadd.s32 $0xFFFFF000  }
0x8e: {  	_ =	swait.ge [sflag:s18], $0x1000  }
0x8f: {  	[sflag:s18] =	ssyncset.done $0x0  }
0x90: {  	[sflag:s18] =	ssyncadd.s32 $0xFFFFF000  }
0x91: {  	[tilespmem:s20], [sflag:$0x1] =	stream.indirect.gather [spmem:s3], $0x20, s29, s19, $0xb8;
	[tilespmem:$0x18000] =	vst v63  }
0x92: {  	_ = 	snop  }
0x93: {  	[spmem:s2] =	stream.indirect.scatter.add.f32 [tilespmem:s24], [sflag:$0x2], $0x20, s30, s19, $0xb8;
	[tilespmem:$0x18000] =	vst v63  }
0x94: {  	_ =	swait.ge [sflag:s22], $0x1000  }
0x95: {  	[sflag:s22] =	ssyncset.done $0x0  }
0x96: {  	[sflag:s22] =	ssyncadd.s32 $0xFFFFF000  }
0x97: {  	_ =	swait.ge [sflag:s18], $0x1000  }
0x98: {  	[sflag:s18] =	ssyncset.done $0x0  }
0x99: {  	[sflag:s18] =	ssyncadd.s32 $0xFFFFF000  }
0x9a: {  	[tilespmem:s21], [sflag:$0x1] =	stream.indirect.gather [spmem:s3], $0x20, s31, s19, $0xb8;
	[tilespmem:$0x18000] =	vst v63  }
0x9b: {  	s7 =	simm.s32 $0x0  }
0x9c: {  	[spmem:s2] =	stream.indirect.scatter.add.f32 [tilespmem:s26], [sflag:$0x2], $0x20, s0, s19, $0xb8;
	[tilespmem:$0x18000] =	vst v63  }
.LBB2_6:
0x9d: {  	_ =	swait.ge [sflag:s22], $0x1000  }
0x9e: {  	[sflag:s22] =	ssyncset.done $0x0  }
0x9f: {  	[sflag:s22] =	ssyncadd.s32 $0xFFFFF000  }
0xa0: {  	_ =	swait.ge [sflag:s18], $0x1000  }
0xa1: {  	s23 =	sshra.s32 s7, $0x2;
	[sflag:s18] =	ssyncset.done $0x0  }
0xa2: {  	s25 =	sadd.s32 $0x300, s23;
	[sflag:s18] =	ssyncadd.s32 $0xFFFFF000  }
0xa3: {  	[tilespmem:s24], [sflag:$0x1] =	stream.indirect.gather [spmem:s3], $0x20, s25, s19, $0xb8;
	[tilespmem:$0x18000] =	vst v63  }
0xa4: {  	s25 =	sadd.s32 $0x5200, s23  }
0xa5: {  	[spmem:s2] =	stream.indirect.scatter.add.f32 [tilespmem:s20], [sflag:$0x2], $0x20, s25, s19, $0xb8;
	[tilespmem:$0x18000] =	vst v63  }
0xa6: {  	_ =	swait.ge [sflag:s22], $0x1000  }
0xa7: {  	[sflag:s22] =	ssyncset.done $0x0  }
0xa8: {  	[sflag:s22] =	ssyncadd.s32 $0xFFFFF000  }
0xa9: {  	_ =	swait.ge [sflag:s18], $0x1000  }
0xaa: {  	[sflag:s18] =	ssyncset.done $0x0  }
0xab: {  	s25 =	sadd.s32 $0x380, s23;
	[sflag:s18] =	ssyncadd.s32 $0xFFFFF000  }
0xac: {  	[tilespmem:s26], [sflag:$0x1] =	stream.indirect.gather [spmem:s3], $0x20, s25, s19, $0xb8;
	[tilespmem:$0x18000] =	vst v63  }
0xad: {  	s25 =	sadd.s32 $0x5280, s23  }
0xae: {  	[spmem:s2] =	stream.indirect.scatter.add.f32 [tilespmem:s21], [sflag:$0x2], $0x20, s25, s19, $0xb8;
	[tilespmem:$0x18000] =	vst v63  }
0xaf: {  	p1 =	seq.s32 s7, $0x13000;
	_ =	swait.ge [sflag:s22], $0x1000  }
.Ltmp5:
0xb0: {  	[sflag:s22] =	ssyncset.done $0x0;
	(pc) =	sbr.rel @p1 .LBB2_9-.Ltmp5, $4  }
0xb1: {  	[sflag:s22] =	ssyncadd.s32 $0xFFFFF000  }
0xb2: {  	_ =	swait.ge [sflag:s18], $0x1000  }
0xb3: {  	[sflag:s18] =	ssyncset.done $0x0  }
0xb4: {  	[sflag:s18] =	ssyncadd.s32 $0xFFFFF000  }
0xb5: {  	s25 =	sadd.s32 $0x400, s23  }
0xb6: {  	[tilespmem:s20], [sflag:$0x1] =	stream.indirect.gather [spmem:s3], $0x20, s25, s19, $0xb8;
	[tilespmem:$0x18000] =	vst v63  }
0xb7: {  	s25 =	sadd.s32 $0x5300, s23  }
0xb8: {  	[spmem:s2] =	stream.indirect.scatter.add.f32 [tilespmem:s24], [sflag:$0x2], $0x20, s25, s19, $0xb8;
	[tilespmem:$0x18000] =	vst v63  }
0xb9: {  	_ =	swait.ge [sflag:s22], $0x1000  }
0xba: {  	[sflag:s22] =	ssyncset.done $0x0  }
0xbb: {  	[sflag:s22] =	ssyncadd.s32 $0xFFFFF000  }
0xbc: {  	_ =	swait.ge [sflag:s18], $0x1000  }
.Ltmp6:
0xbd: {  	[sflag:s18] =	ssyncset.done $0x0;
	(pc) =	sbr.rel .LBB2_6-.Ltmp6, $4  }
0xbe: {  	s25 =	sadd.s32 $0x480, s23;
	[sflag:s18] =	ssyncadd.s32 $0xFFFFF000  }
0xbf: {  	[tilespmem:s21], [sflag:$0x1] =	stream.indirect.gather [spmem:s3], $0x20, s25, s19, $0xb8;
	[tilespmem:$0x18000] =	vst v63  }
0xc0: {  	s7 =	sadd.s32 $0x800, s7;
	s25 =	sadd.s32 $0x5380, s23  }
0xc1: {  	[spmem:s2] =	stream.indirect.scatter.add.f32 [tilespmem:s26], [sflag:$0x2], $0x20, s25, s19, $0xb8;
	[tilespmem:$0x18000] =	vst v63  }
.LBB2_8:
.Ltmp7:
0xc2: {  	(pc) =	sbr.rel .LBB2_10-.Ltmp7, $2  }
0xc3: {  	_ =	sdelay $0x2  }
0xc4: {  	s25 =	sadd.s32 $0xC00, s7;
	s23 =	sadd.s32 $0xE00, s7;
	s7 =	rddreg [dreg:$0x4]  }
.LBB2_11:
0xc5: {  	_ =	sfence.sel $0x180000  }
0xc6: {  	[bflag:$0x0] =	sbarrier.arrive $0xFFFF  }
0xc7: {  	_ =	strace $0x9000004A  }
0xc8: {  	s0 =	stileid.u32;
	[bflag:$0x2] =	sbarrier.arrive $0xFFFF  }
0xc9: {  	p0 =	sne.s32 s0, $0x0;
	s0 =	rddreg [dreg:$0x3]  }
0xca: {  	s0 =	sadd.s32 @!p0 $0x100000, s0  }
0xcb: {  	[sflag:s0] =	ssyncadd.tile.s32 @!p0 $0x1;
	_ =	shalt  }
.Lfunc_end2:
_tile_overlayer_lowered:
.L_overlay_start_2:
0xcc: {  	(tag) =	ssettag $0x2  }
0xcd: {  	s0 =	rddreg [dreg:$0x0];
	s2 =	stileid.u32  }
0xce: {  	s1 =	rddreg [dreg:$0x1];
	p0 =	sne.s32 s2, $0x0  }
0xcf: {  	s3 =	rddreg [dreg:$0x2];
	[bflag:$0x3] =	sbarrier.arrive $0xFFFF;
	s2 =	simm.s32 @!p0 $0x1C03  }
0xd0: {  	[timem:s3], [sflag:s2] =	dma.local @!p0 [hbm:s0], s1  }
0xd1: {  	s0 =	simm.s32 @!p0 $0x3  }
0xd2: {  	_ =	swait.ge @!p0 [sflag:s0], s1  }
0xd3: {  	s1 =	ssub.s32 @!p0 $0x0, s1;
	[sflag:s0] =	ssyncset.done @!p0 $0x0  }
0xd4: {  	[sflag:s0] =	ssyncadd.s32 @!p0 s1  }
0xd5: {  	[bflag:$0x3] =	sbarrier.arrive $0xFFFF  }
0xd6: {  	_ =	shalt  }

// kernel: kernel.14.cloned.1.call-start
scs
__scs_entry_jumppad:
0x0: {  	(pc) =	sbr.rel $0x88, $3  }
0x1: {  	(tag) =	ssettag $0x0;
	lr =	simm.s32 $0x1  }
0x2: {  	[smem:$0x3F9B] =	sst lr;
	_ =	strace $0xD0000000  }
0x3: {  	_ = 	snop  }
0x4: {  	_ = 	snop  }
0x5: {  	_ = 	snop  }
0x6: {  	_ = 	snop  }
0x7: {  	_ = 	snop  }
__scs_overlays_trampoline_lowered:
0x8: {  	[smem:$0x3FAA] =	sst s0  }
0x9: {  	[smem:$0x3FAB] =	sst s1  }
0xa: {  	[smem:$0x3FAC] =	sst s2  }
0xb: {  	[smem:$0x3FAD] =	sst s3  }
0xc: {  	[smem:$0x3FAE] =	sst s4  }
0xd: {  	[smem:$0x3FAF] =	sst s5  }
0xe: {  	[smem:$0x3FB0] =	sst s6  }
0xf: {  	[smem:$0x3FB1] =	sst s7  }
0x10: {  	[smem:$0x3FB2] =	sst s8  }
0x11: {  	[smem:$0x3FB3] =	sst s9;
	s0 =	simm.s32 @!p0 $0x0  }
0x12: {  	s1 =	sld [smem:$0x3F99];
	s0 =	simm.s32 @p0 $0x1  }
0x13: {  	[smem:$0x3FB4] =	sst s0;
	s0 =	simm.s32 @!p1 $0x0  }
0x14: {  	s2 =	sld [smem:$0x3F98];
	s0 =	simm.s32 @p1 $0x1  }
0x15: {  	[smem:$0x3FB5] =	sst s0;
	s0 =	simm.s32 @!p2 $0x0  }
0x16: {  	s3 =	sld [smem:$0x3FDB];
	s0 =	simm.s32 @p2 $0x1  }
0x17: {  	s4 =	simm.s32 $0x1BF5;
	[smem:$0x3FB7] =	sst s0  }
0x18: {  	s0 =	sld [smem:$0x3F9A];
	_ =	swait.ge [sflag:s4], $0x0  }
0x19: {  	s7 =	sld [smem:$0x3F9B]  }
0x1a: {  	s8 =	sadd.s32 $0xFFFFE003, lr  }
0x1b: {  	s9 =	sadd.s32 $0xFFFFFEF7, lr;
	s5 =	simm.s32 $0xFFFFFFFF;
	p2 =	slt.u32 s8, $0xFFFFF086  }
0x1c: {  	p1 =	slt.u32 s9, $0xF7A;
	s5 =	simm.s32 @!p2 $0x0  }
0x1d: {  	s5 =	simm.s32 @p1 $0x1;
	p0 =	seq.s32 s7, s2  }
0x1e: {  	s7 =	smul.u32 @!p0 $0xF7A, s2;
	p2 =	seq.s32 @!p0 s5, $0x0  }
0x1f: {  	s9 =	smul.u32 $0xF7A, s1;
	s8 =	simm.s32 @!p0 $0x1BF5;
	p2 =	por !p2, p0  }
0x20: {  	[sflag:s8] =	ssyncset.s32 @!p0 $0xFFFFF086;
	s6 =	sadd.s32 @!p0 s3, s7;
	s7 =	simm.s32 @!p0 $0x108  }
0x21: {  	s3 =	sadd.s32 s3, s9;
	s6 =	sadd.s32 @!p0 $0x88, s6;
	s7 =	simm.s32 @p2 $0x1082  }
0x22: {  	[simem:s7], [sflag:s8] =	dma.local @!p0 [hbm:s6], $0xF7A  }
0x23: {  	s9 =	sor.u32 $0xD0000000, s2;
	s6 =	simm.s32 $0x108;
	_ =	swait.ge @!p0 [sflag:s8], $0x0  }
0x24: {  	s3 =	sadd.s32 $0x88, s3;
	s6 =	simm.s32 @!p1 $0x1082;
	[sflag:s4] =	ssyncset.s32 $0xFFFFF086  }
0x25: {  	[simem:s6], [sflag:s4] =	dma.local [hbm:s3], $0xF7A  }
0x26: {  	[smem:$0x3F9B] =	sst s1;
	(tag) =	ssettag s2;
	_ =	strace s9  }
0x27: {  	s1 =	sld [smem:$0x3FAB]  }
0x28: {  	s2 =	sld [smem:$0x3FAC]  }
0x29: {  	s4 =	sld [smem:$0x3FAE]  }
0x2a: {  	p0 =	seq.s32 s5, $0x0;
	s5 =	sld [smem:$0x3FAF]  }
0x2b: {  	s6 =	sld [smem:$0x3FB0]  }
0x2c: {  	s7 =	sld [smem:$0x3FB1]  }
0x2d: {  	s3 =	simm.s32 $0x108;
	s8 =	sld [smem:$0x3FB2]  }
0x2e: {  	s3 =	simm.s32 @!p0 $0x1082;
	s9 =	sld [smem:$0x3FB3]  }
0x2f: {  	lr =	sadd.s32 s0, s3;
	s0 =	sld [smem:$0x3FAA]  }
0x30: {  	s3 =	sld [smem:$0x3FAD]  }
0x31: {  	[smem:$0x3FB6] =	sst s10  }
0x32: {  	s10 =	sld [smem:$0x3FB4];
	_ =	sdelay $0x3  }
0x33: {  	p0 =	seq.s32 s10, $0x1;
	s10 =	sld [smem:$0x3FB6];
	_ =	sdelay $0x3  }
0x34: {  	[smem:$0x3FB6] =	sst s10  }
0x35: {  	s10 =	sld [smem:$0x3FB5];
	_ =	sdelay $0x3  }
0x36: {  	p1 =	seq.s32 s10, $0x1;
	s10 =	sld [smem:$0x3FB6];
	_ =	sdelay $0x3  }
0x37: {  	[smem:$0x3FB6] =	sst s10  }
0x38: {  	s10 =	sld [smem:$0x3FB7]  }
0x39: {  	_ = 	snop;
	(pc) =	sbr.ind lr, $3  }
0x3a: {  	_ = 	snop  }
0x3b: {  	_ = 	snop  }
0x3c: {  	p2 =	seq.s32 s10, $0x1;
	s10 =	sld [smem:$0x3FB6]  }
0x3d: {  	_ =	shalt  }
0x3e: {  	_ =	shalt  }
0x3f: {  	_ =	shalt  }
0x40: {  	_ =	shalt  }
0x41: {  	_ =	shalt  }
0x42: {  	_ =	shalt  }
0x43: {  	_ =	shalt  }
0x44: {  	_ =	shalt  }
0x45: {  	_ =	shalt  }
0x46: {  	_ =	shalt  }
0x47: {  	_ =	shalt  }
0x48: {  	_ =	shalt  }
0x49: {  	_ =	shalt  }
0x4a: {  	_ =	shalt  }
0x4b: {  	_ =	shalt  }
0x4c: {  	_ =	shalt  }
0x4d: {  	_ =	shalt  }
0x4e: {  	_ =	shalt  }
0x4f: {  	_ =	shalt  }
0x50: {  	_ =	shalt  }
0x51: {  	_ =	shalt  }
0x52: {  	_ =	shalt  }
0x53: {  	_ =	shalt  }
0x54: {  	_ =	shalt  }
0x55: {  	_ =	shalt  }
0x56: {  	_ =	shalt  }
0x57: {  	_ =	shalt  }
0x58: {  	_ =	shalt  }
0x59: {  	_ =	shalt  }
0x5a: {  	_ =	shalt  }
0x5b: {  	_ =	shalt  }
0x5c: {  	_ =	shalt  }
0x5d: {  	_ =	shalt  }
0x5e: {  	_ =	shalt  }
0x5f: {  	_ =	shalt  }
0x60: {  	_ =	shalt  }
0x61: {  	_ =	shalt  }
0x62: {  	_ =	shalt  }
0x63: {  	_ =	shalt  }
0x64: {  	_ =	shalt  }
0x65: {  	_ =	shalt  }
0x66: {  	_ =	shalt  }
0x67: {  	_ =	shalt  }
0x68: {  	_ =	shalt  }
0x69: {  	_ =	shalt  }
0x6a: {  	_ =	shalt  }
0x6b: {  	_ =	shalt  }
0x6c: {  	_ =	shalt  }
0x6d: {  	_ =	shalt  }
0x6e: {  	_ =	shalt  }
0x6f: {  	_ =	shalt  }
0x70: {  	_ =	shalt  }
0x71: {  	_ =	shalt  }
0x72: {  	_ =	shalt  }
0x73: {  	_ =	shalt  }
0x74: {  	_ =	shalt  }
0x75: {  	_ =	shalt  }
0x76: {  	_ =	shalt  }
0x77: {  	_ =	shalt  }
0x78: {  	_ =	shalt  }
0x79: {  	_ =	shalt  }
0x7a: {  	_ =	shalt  }
0x7b: {  	_ =	shalt  }
0x7c: {  	_ =	shalt  }
0x7d: {  	_ =	shalt  }
0x7e: {  	_ =	shalt  }
0x7f: {  	_ =	shalt  }
0x80: {  	_ =	shalt  }
0x81: {  	_ =	shalt  }
0x82: {  	_ =	shalt  }
0x83: {  	_ =	shalt  }
0x84: {  	_ =	shalt  }
0x85: {  	_ =	shalt  }
0x86: {  	_ =	shalt  }
0x87: {  	_ =	shalt  }
.Lfunc_end0:
.L_simem_size_0:
called_computation.2_lowered:
.L_overlay_start_0:
0x88: {  	s2 =	sld [smem:$0x3FD9]  }
0x89: {  	s3 =	sld [smem:$0x3FFE];
	_ =	sdelay $0x1  }
0x8a: {  	s1 =	srdreg.scid  }
0x8b: {  	s0 =	sand.u32 $0x1, s1  }
0x8c: {  	s16 =	sshll.u32 s0, $0xA;
	s2 =	sadd.s32 s3, s2  }
0x8d: {  	s2 =	sadd.s32 s2, s16  }
0x8e: {  	[smem:$0x3FC2] =	sst s2  }
0x8f: {  	_ = 	snop  }
0x90: {  	(tm) =	ssettm $0x1  }
0x91: {  	s17 =	sld [smem:$0x3FFB];
	_ =	sdelay $0x3  }
0x92: {  	_ =	strace s17  }
0x93: {  	s2 =	sld [smem:$0x3FFC];
	_ =	sdelay $0x3  }
0x94: {  	_ =	strace s2  }
0x95: {  	s2 =	sld [smem:$0x3FFD];
	_ =	sdelay $0x3  }
0x96: {  	_ =	strace s2  }
0x97: {  	_ =	strace $0x8FFFFFFF  }
0x98: {  	s18 =	sld [smem:$0x3FDB];
	_ =	sdelay $0x1  }
0x99: {  	s19 =	simm.s32 $_scs_section_size  }
0x9a: {  	s4 =	simm.s32 $_size__tile_overlayer_lowered;
	s5 =	simm.s32 $_tile_overlayer_lowered  }
0x9b: {  	s22 =	simm.s32 $0x1BFF;
	s21 =	sshll.u32 s5, $0x1;
	s2 =	sadd.s32 s19, s18  }
0x9c: {  	s6 =	simm.s32 $0x0;
	s20 =	sshll.u32 s4, $0x1;
	s4 =	sadd.s32 s21, s2  }
0x9d: {  	[timem:s6], [sflag:s22] =	dma.local [hbm:s4], s20  }
0x9e: {  	_ =	swait.ge [sflag:s22], s20  }
0x9f: {  	s3 =	ssub.s32 $0x0, s20;
	[sflag:s22] =	ssyncset.done $0x0  }
0xa0: {  	[sflag:s22] =	ssyncadd.s32 s3;
	_ =	sdelay $0x1  }
0xa1: {  	s23 =	simm.s32 $0x1B8B  }
0xa2: {  	_ =	swait.ge [sflag:s23], $0x1  }
0xa3: {  	[sflag:s23] =	ssyncset.done $0x0  }
0xa4: {  	s25 =	simm.s32 $0x1B8E;
	s24 =	sld [smem:$0x3FFE];
	[sflag:s23] =	ssyncadd.s32 $0xFFFFFFFF  }
0xa5: {  	s26 =	simm.s32 $execute0_lowered;
	[smem:$0x3FD2] =	sst s25  }
0xa6: {  	s4 =	sshll.u32 s26, $0x1;
	_ =	strace $0x8000004C;
	[dreg:$0x1] =	wrdreg $0xFFFFFFFF  }
0xa7: {  	s28 =	simm.s32 $_size_execute0_lowered;
	s2 =	sadd.s32 s2, s4;
	[dreg:$0x0] =	wrdreg $0x0  }
0xa8: {  	s4 =	sshll.u32 s28, $0x1;
	[dreg:$0x2] =	wrdreg s2  }
0xa9: {  	[dreg:$0x3] =	wrdreg s4  }
0xaa: {  	[dreg:$0x4] =	wrdreg $0xC0  }
0xab: {  	_ =	task [dreg:s6], $0x5FFFF  }
0xac: {  	[dreg:$0x1] =	wrdreg $0xFFFFFFFF  }
0xad: {  	[dreg:$0x0] =	wrdreg $0x60  }
0xae: {  	[dreg:$0x2] =	wrdreg s24  }
0xaf: {  	[dreg:$0x3] =	wrdreg $0x60000  }
0xb0: {  	[dreg:$0x4] =	wrdreg $0x74000  }
0xb1: {  	[dreg:$0x5] =	wrdreg $0x9  }
0xb2: {  	_ =	task.clear_ibuf [dreg:s6], $0x6FFFF;
	_ =	strace $0x9000004C  }
0xb3: {  	s29 =	simm.s32 $0x9;
	_ =	strace $0x8000004E  }
0xb4: {  	_ =	swait.ge [sflag:s29], $0x1  }
0xb5: {  	[sflag:s29] =	ssyncadd.s32 $0xFFFFFFFF  }
0xb6: {  	_ =	strace $0x9000004E  }
0xb7: {  	_ =	sfence  }
0xb8: {  	s30 =	sld [smem:$0x0];
	_ =	sdelay $0x2  }
0xb9: {  	s31 =	sshll.u32 s1, $0xD;
	s1 =	sshrl.u32 s1, $0x2  }
0xba: {  	s3 =	sand.u32 $0x4000, s31;
	s1 =	sadd.s32 s1, s30  }
0xbb: {  	s0 =	sor.u32 s3, s0;
	s1 =	sshll.u32 s1, $0x11  }
0xbc: {  	s0 =	sor.u32 s1, s0  }
0xbd: {  	s0 =	sadd.s32 $0x8F2B, s0  }
0xbe: {  	[sflag:s0] =	ssyncadd.remote.s32 $0x1  }
0xbf: {  	_ =	sfence.sel $0xFFFF  }
0xc0: {  	[dreg:$0x0] =	wrdreg $0xFFFFFFFF;
	(pc) =	sbr.abs _section_cstart, $3  }
0xc1: {  	[dreg:$0x1] =	wrdreg $0xFFFFFFFF  }
0xc2: {  	_ =	task.clear_ibuf [dreg:s6], $0x2FFFF;
	_ =	strace $0x9FFFFFFF  }
0xc3: {  	(tm) =	ssettm $0x7FFFFFFF  }
tec
execute0_lowered:
.L_overlay_start_1:
0x0: {  	(tag) =	ssettag $0x1  }
0x1: {  	s0 =	rddreg [dreg:$0x0]  }
0x2: {  	s1 =	rddreg [dreg:$0x1]  }
0x3: {  	s2 =	srdreg.scid;
	s3 =	rddreg [dreg:$0x2]  }
0x4: {  	s9 =	stileid.u32;
	s4 =	simm.s32 $0x0;
	s15 =	simm.s32 $0x2800  }
0x5: {  	s16 =	simm.s32 $0x2;
	s17 =	simm.s32 $0x80;
	s18 =	simm.s32 $0x5000  }
0x6: {  	s19 =	simm.s32 $0x5400;
	s20 =	simm.s32 $0x1;
	s22 =	simm.s32 $0x5800  }
0x7: {  	s24 =	simm.s32 $0x5C00;
	s28 =	simm.s32 $0x2900;
	s29 =	simm.s32 $0x280  }
0x8: {  	s30 =	simm.s32 $0x2980;
	s31 =	simm.s32 $0x3;
	s2 =	sand.u32 $0x1, s2  }
0x9: {  	s8 =	smul.u32 $0x1400, s9;
	[smem:$0x7FF] =	sst s4;
	s5 =	sshll.u32 s2, $0x4  }
0xa: {  	_ =	strace $0x8000004D;
	s7 =	ssub.s32 $0x2, s2;
	p0 =	seq.s32 s2, $0x1  }
0xb: {  	s2 =	simm.s32 $0x11400;
	s5 =	sor.u32 s9, s5;
	s6 =	sshrl.u32 s8, $0x3  }
0xc: {  	s26 =	sshrl.u32 s7, $0x1;
	s13 =	sadd.s32 s8, s1;
	s14 =	sadd.s32 s8, s3  }
0xd: {  	s2 =	simm.s32 @!p0 $0x13C00;
	s5 =	smul.u32 $0x500, s5;
	s11 =	ssub.s32 s7, s26  }
.Ltmp0:
0xe: {  	s13 =	sshrl.u32 s13, $0x3;
	s14 =	sshrl.u32 s14, $0x3;
	(pc) =	sbr.rel .LBB2_1-.Ltmp0, $4  }
0xf: {  	s26 =	simm.s32 $0x200;
	s10 =	sadd.s32 s5, s0;
	s0 =	sadd.s32 s6, s0  }
0x10: {  	s11 =	smax.u32 s11, $0x1;
	s5 =	sshll.u32 s9, $0x6;
	s6 =	sadd.s32 $0xEC00, s0  }
0x11: {  	s7 =	sor.u32 $0x1C02, s5;
	s8 =	sadd.s32 $0xC400, s0;
	s9 =	sadd.s32 $0x16400, s10  }
0x12: {  	s10 =	sadd.s32 $0x2400, s10;
	s12 =	sadd.s32 s2, s0;
	s0 =	simm.s32 $0x0  }
.LBB2_4:
0x13: {  	[spmem:s1] =	stream.indirect.scatter.add.f32 [tilespmem:s22], [sflag:$0x2], $0x8, s23, s17, $0xb8;
	[tilespmem:$0x8800] =	vst v63  }
0x14: {  	_ =	swait.ge [sflag:s20], $0x400  }
0x15: {  	[sflag:s20] =	ssyncset.done $0x0  }
0x16: {  	[sflag:s20] =	ssyncadd.s32 $0xFFFFFC00  }
0x17: {  	_ =	swait.ge [sflag:s16], $0x400  }
0x18: {  	[sflag:s16] =	ssyncset.done $0x0  }
0x19: {  	s2 =	sadd.s32 $0x2B80, s21;
	[sflag:s16] =	ssyncadd.s32 $0xFFFFFC00  }
0x1a: {  	[spmem:s1] =	stream.indirect.scatter.add.f32 [tilespmem:s24], [sflag:$0x2], $0x8, s2, s17, $0xb8;
	[tilespmem:$0x8800] =	vst v63  }
0x1b: {  	_ =	swait.ge [sflag:s16], $0x400  }
0x1c: {  	[sflag:s16] =	ssyncset.done $0x0  }
0x1d: {  	[sflag:s16] =	ssyncadd.s32 $0xFFFFFC00  }
0x1e: {  	_ =	swait.ge [sflag:s16], $0x400  }
0x1f: {  	s0 =	sadd.s32 $0x1, s0;
	[sflag:s16] =	ssyncset.done $0x0  }
0x20: {  	p0 =	sne.s32 s0, s11;
	[sflag:s16] =	ssyncadd.s32 $0xFFFFFC00  }
.Ltmp1:
0x21: {  	s25 =	sor.u32 $0x1C03, s5;
	[bflag:$0x0] =	sbarrier.arrive $0xFFFF;
	(pc) =	sbr.rel @!p0 .LBB2_5-.Ltmp1, $4  }
0x22: {  	[hbm:s12], [sflag:s25] =	dma.local [spmem:s13], $0x280  }
0x23: {  	_ =	swait.ge [sflag:s31], $0x280  }
0x24: {  	[sflag:s31] =	ssyncset.done $0x0  }
0x25: {  	[sflag:s31] =	ssyncadd.s32 $0xFFFFFD80  }
.LBB2_1:
0x26: {  	[spmem:s13], [sflag:s7] =	dma.local [hbm:s6], $0x280  }
0x27: {  	[spmem:s14], [sflag:s7] =	dma.local [hbm:s8], $0x280  }
0x28: {  	[tilespmem:s4], [sflag:$0x2] =	stream.linear.gather [hbm4b:s9+s4], $0x2800, $0x38;
	[tilespmem:$0x8800] =	vst v63  }
0x29: {  	_ = 	snop  }
0x2a: {  	[tilespmem:s15], [sflag:$0x2] =	stream.linear.gather [hbm4b:s10+s4], $0x2800, $0x38;
	[tilespmem:$0x8800] =	vst v63  }
0x2b: {  	_ =	swait.ge [sflag:s16], $0x280  }
0x2c: {  	[sflag:s16] =	ssyncset.done $0x0  }
0x2d: {  	[sflag:s16] =	ssyncadd.s32 $0xFFFFFD80  }
0x2e: {  	_ =	swait.ge [sflag:s16], $0x280  }
0x2f: {  	[sflag:s16] =	ssyncset.done $0x0  }
0x30: {  	[sflag:s16] =	ssyncadd.s32 $0xFFFFFD80  }
0x31: {  	_ =	swait.ge [sflag:s16], $0x2800  }
0x32: {  	[sflag:s16] =	ssyncset.done $0x0  }
0x33: {  	[sflag:s16] =	ssyncadd.s32 $0xFFFFD800  }
0x34: {  	_ =	swait.ge [sflag:s16], $0x2800  }
0x35: {  	[sflag:s16] =	ssyncset.done $0x0  }
0x36: {  	[sflag:s16] =	ssyncadd.s32 $0xFFFFD800  }
0x37: {  	[bflag:$0x0] =	sbarrier.arrive $0xFFFF  }
0x38: {  	[tilespmem:s18], [sflag:$0x1] =	stream.indirect.gather [spmem:s3], $0x8, s4, s17, $0xb8;
	[tilespmem:$0x8800] =	vst v63  }
0x39: {  	_ = 	snop  }
0x3a: {  	[tilespmem:s19], [sflag:$0x1] =	stream.indirect.gather [spmem:s3], $0x8, s17, s17, $0xb8;
	[tilespmem:$0x8800] =	vst v63  }
0x3b: {  	_ =	swait.ge [sflag:s20], $0x400  }
0x3c: {  	[sflag:s20] =	ssyncset.done $0x0  }
0x3d: {  	s2 =	simm.s32 $0x100;
	[sflag:s20] =	ssyncadd.s32 $0xFFFFFC00  }
0x3e: {  	[tilespmem:s22], [sflag:$0x1] =	stream.indirect.gather [spmem:s3], $0x8, s2, s17, $0xb8;
	[tilespmem:$0x8800] =	vst v63  }
0x3f: {  	_ = 	snop  }
0x40: {  	[spmem:s1] =	stream.indirect.scatter.add.f32 [tilespmem:s18], [sflag:$0x2], $0x8, s15, s17, $0xb8;
	[tilespmem:$0x8800] =	vst v63  }
0x41: {  	_ =	swait.ge [sflag:s20], $0x400  }
0x42: {  	[sflag:s20] =	ssyncset.done $0x0  }
0x43: {  	s23 =	simm.s32 $0x180;
	[sflag:s20] =	ssyncadd.s32 $0xFFFFFC00  }
0x44: {  	[tilespmem:s24], [sflag:$0x1] =	stream.indirect.gather [spmem:s3], $0x8, s23, s17, $0xb8;
	[tilespmem:$0x8800] =	vst v63  }
0x45: {  	s25 =	simm.s32 $0x2880  }
0x46: {  	[spmem:s1] =	stream.indirect.scatter.add.f32 [tilespmem:s19], [sflag:$0x2], $0x8, s25, s17, $0xb8;
	[tilespmem:$0x8800] =	vst v63  }
0x47: {  	_ =	swait.ge [sflag:s20], $0x400  }
0x48: {  	[sflag:s20] =	ssyncset.done $0x0  }
0x49: {  	[sflag:s20] =	ssyncadd.s32 $0xFFFFFC00  }
0x4a: {  	_ =	swait.ge [sflag:s16], $0x400  }
0x4b: {  	[sflag:s16] =	ssyncset.done $0x0  }
0x4c: {  	[sflag:s16] =	ssyncadd.s32 $0xFFFFFC00  }
0x4d: {  	[tilespmem:s18], [sflag:$0x1] =	stream.indirect.gather [spmem:s3], $0x8, s26, s17, $0xb8;
	[tilespmem:$0x8800] =	vst v63  }
0x4e: {  	_ = 	snop  }
0x4f: {  	[spmem:s1] =	stream.indirect.scatter.add.f32 [tilespmem:s22], [sflag:$0x2], $0x8, s28, s17, $0xb8;
	[tilespmem:$0x8800] =	vst v63  }
0x50: {  	_ =	swait.ge [sflag:s20], $0x400  }
0x51: {  	[sflag:s20] =	ssyncset.done $0x0  }
0x52: {  	[sflag:s20] =	ssyncadd.s32 $0xFFFFFC00  }
0x53: {  	_ =	swait.ge [sflag:s16], $0x400  }
0x54: {  	[sflag:s16] =	ssyncset.done $0x0  }
0x55: {  	[sflag:s16] =	ssyncadd.s32 $0xFFFFFC00  }
0x56: {  	[tilespmem:s19], [sflag:$0x1] =	stream.indirect.gather [spmem:s3], $0x8, s29, s17, $0xb8;
	[tilespmem:$0x8800] =	vst v63  }
0x57: {  	s2 =	simm.s32 $0x0  }
0x58: {  	[spmem:s1] =	stream.indirect.scatter.add.f32 [tilespmem:s24], [sflag:$0x2], $0x8, s30, s17, $0xb8;
	[tilespmem:$0x8800] =	vst v63  }
.LBB2_2:
0x59: {  	_ =	swait.ge [sflag:s20], $0x400  }
0x5a: {  	[sflag:s20] =	ssyncset.done $0x0  }
0x5b: {  	[sflag:s20] =	ssyncadd.s32 $0xFFFFFC00  }
0x5c: {  	_ =	swait.ge [sflag:s16], $0x400  }
0x5d: {  	s21 =	sshra.s32 s2, $0x2;
	[sflag:s16] =	ssyncset.done $0x0  }
0x5e: {  	s23 =	sadd.s32 $0x300, s21;
	[sflag:s16] =	ssyncadd.s32 $0xFFFFFC00  }
0x5f: {  	[tilespmem:s22], [sflag:$0x1] =	stream.indirect.gather [spmem:s3], $0x8, s23, s17, $0xb8;
	[tilespmem:$0x8800] =	vst v63  }
0x60: {  	s25 =	sadd.s32 $0x2A00, s21  }
0x61: {  	[spmem:s1] =	stream.indirect.scatter.add.f32 [tilespmem:s18], [sflag:$0x2], $0x8, s25, s17, $0xb8;
	[tilespmem:$0x8800] =	vst v63  }
0x62: {  	_ =	swait.ge [sflag:s20], $0x400  }
0x63: {  	[sflag:s20] =	ssyncset.done $0x0  }
0x64: {  	[sflag:s20] =	ssyncadd.s32 $0xFFFFFC00  }
0x65: {  	_ =	swait.ge [sflag:s16], $0x400  }
0x66: {  	[sflag:s16] =	ssyncset.done $0x0  }
0x67: {  	s25 =	sadd.s32 $0x380, s21;
	[sflag:s16] =	ssyncadd.s32 $0xFFFFFC00  }
0x68: {  	[tilespmem:s24], [sflag:$0x1] =	stream.indirect.gather [spmem:s3], $0x8, s25, s17, $0xb8;
	[tilespmem:$0x8800] =	vst v63  }
0x69: {  	s25 =	sadd.s32 $0x2A80, s21  }
0x6a: {  	[spmem:s1] =	stream.indirect.scatter.add.f32 [tilespmem:s19], [sflag:$0x2], $0x8, s25, s17, $0xb8;
	[tilespmem:$0x8800] =	vst v63  }
0x6b: {  	p0 =	seq.s32 s2, $0x9000;
	_ =	swait.ge [sflag:s20], $0x400  }
.Ltmp2:
0x6c: {  	[sflag:s20] =	ssyncset.done $0x0;
	(pc) =	sbr.rel @p0 .LBB2_4-.Ltmp2, $4  }
0x6d: {  	[sflag:s20] =	ssyncadd.s32 $0xFFFFFC00  }
0x6e: {  	_ =	swait.ge [sflag:s16], $0x400  }
0x6f: {  	[sflag:s16] =	ssyncset.done $0x0  }
0x70: {  	s23 =	sadd.s32 $0x2B00, s21;
	[sflag:s16] =	ssyncadd.s32 $0xFFFFFC00  }
0x71: {  	s25 =	sadd.s32 $0x400, s21  }
0x72: {  	[tilespmem:s18], [sflag:$0x1] =	stream.indirect.gather [spmem:s3], $0x8, s25, s17, $0xb8;
	[tilespmem:$0x8800] =	vst v63  }
0x73: {  	_ = 	snop  }
0x74: {  	[spmem:s1] =	stream.indirect.scatter.add.f32 [tilespmem:s22], [sflag:$0x2], $0x8, s23, s17, $0xb8;
	[tilespmem:$0x8800] =	vst v63  }
0x75: {  	_ =	swait.ge [sflag:s20], $0x400  }
0x76: {  	[sflag:s20] =	ssyncset.done $0x0  }
0x77: {  	[sflag:s20] =	ssyncadd.s32 $0xFFFFFC00  }
0x78: {  	_ =	swait.ge [sflag:s16], $0x400  }
.Ltmp3:
0x79: {  	[sflag:s16] =	ssyncset.done $0x0;
	(pc) =	sbr.rel .LBB2_2-.Ltmp3, $4  }
0x7a: {  	s25 =	sadd.s32 $0x480, s21;
	[sflag:s16] =	ssyncadd.s32 $0xFFFFFC00  }
0x7b: {  	[tilespmem:s19], [sflag:$0x1] =	stream.indirect.gather [spmem:s3], $0x8, s25, s17, $0xb8;
	[tilespmem:$0x8800] =	vst v63  }
0x7c: {  	s2 =	sadd.s32 $0x800, s2;
	s25 =	sadd.s32 $0x2B80, s21  }
0x7d: {  	[spmem:s1] =	stream.indirect.scatter.add.f32 [tilespmem:s24], [sflag:$0x2], $0x8, s25, s17, $0xb8;
	[tilespmem:$0x8800] =	vst v63  }
.LBB2_5:
0x7e: {  	_ =	sfence.sel $0x180000  }
0x7f: {  	[bflag:$0x0] =	sbarrier.arrive $0xFFFF  }
0x80: {  	_ =	strace $0x9000004D  }
0x81: {  	s0 =	stileid.u32;
	[bflag:$0x2] =	sbarrier.arrive $0xFFFF  }
0x82: {  	p0 =	sne.s32 s0, $0x0;
	s0 =	rddreg [dreg:$0x3]  }
0x83: {  	s0 =	sadd.s32 @!p0 $0x100000, s0  }
0x84: {  	[sflag:s0] =	ssyncadd.tile.s32 @!p0 $0x1;
	_ =	shalt  }
.Lfunc_end2:
_tile_overlayer_lowered:
.L_overlay_start_2:
0x85: {  	(tag) =	ssettag $0x2  }
0x86: {  	s0 =	rddreg [dreg:$0x0];
	s2 =	stileid.u32  }
0x87: {  	s1 =	rddreg [dreg:$0x1];
	p0 =	sne.s32 s2, $0x0  }
0x88: {  	s3 =	rddreg [dreg:$0x2];
	[bflag:$0x3] =	sbarrier.arrive $0xFFFF;
	s2 =	simm.s32 @!p0 $0x1C03  }
0x89: {  	[timem:s3], [sflag:s2] =	dma.local @!p0 [hbm:s0], s1  }
0x8a: {  	s0 =	simm.s32 @!p0 $0x3  }
0x8b: {  	_ =	swait.ge @!p0 [sflag:s0], s1  }
0x8c: {  	s1 =	ssub.s32 @!p0 $0x0, s1;
	[sflag:s0] =	ssyncset.done @!p0 $0x0  }
0x8d: {  	[sflag:s0] =	ssyncadd.s32 @!p0 s1  }
0x8e: {  	[bflag:$0x3] =	sbarrier.arrive $0xFFFF  }
0x8f: {  	_ =	shalt  }

// kernel: kernel.8.cloned.1.call-start
scs
__scs_entry_jumppad:
0x0: {  	(pc) =	sbr.rel $0x88, $3  }
0x1: {  	(tag) =	ssettag $0x0;
	lr =	simm.s32 $0x1  }
0x2: {  	[smem:$0x3F9B] =	sst lr;
	_ =	strace $0xD0000000  }
0x3: {  	_ = 	snop  }
0x4: {  	_ = 	snop  }
0x5: {  	_ = 	snop  }
0x6: {  	_ = 	snop  }
0x7: {  	_ = 	snop  }
__scs_overlays_trampoline_lowered:
0x8: {  	[smem:$0x3FAA] =	sst s0  }
0x9: {  	[smem:$0x3FAB] =	sst s1  }
0xa: {  	[smem:$0x3FAC] =	sst s2  }
0xb: {  	[smem:$0x3FAD] =	sst s3  }
0xc: {  	[smem:$0x3FAE] =	sst s4  }
0xd: {  	[smem:$0x3FAF] =	sst s5  }
0xe: {  	[smem:$0x3FB0] =	sst s6  }
0xf: {  	[smem:$0x3FB1] =	sst s7  }
0x10: {  	[smem:$0x3FB2] =	sst s8  }
0x11: {  	[smem:$0x3FB3] =	sst s9;
	s0 =	simm.s32 @!p0 $0x0  }
0x12: {  	s1 =	sld [smem:$0x3F99];
	s0 =	simm.s32 @p0 $0x1  }
0x13: {  	[smem:$0x3FB4] =	sst s0;
	s0 =	simm.s32 @!p1 $0x0  }
0x14: {  	s2 =	sld [smem:$0x3F98];
	s0 =	simm.s32 @p1 $0x1  }
0x15: {  	[smem:$0x3FB5] =	sst s0;
	s0 =	simm.s32 @!p2 $0x0  }
0x16: {  	s3 =	sld [smem:$0x3FDB];
	s0 =	simm.s32 @p2 $0x1  }
0x17: {  	s4 =	simm.s32 $0x1BF5;
	[smem:$0x3FB7] =	sst s0  }
0x18: {  	s0 =	sld [smem:$0x3F9A];
	_ =	swait.ge [sflag:s4], $0x0  }
0x19: {  	s7 =	sld [smem:$0x3F9B]  }
0x1a: {  	s8 =	sadd.s32 $0xFFFFE003, lr  }
0x1b: {  	s9 =	sadd.s32 $0xFFFFFEF7, lr;
	s5 =	simm.s32 $0xFFFFFFFF;
	p2 =	slt.u32 s8, $0xFFFFF086  }
0x1c: {  	p1 =	slt.u32 s9, $0xF7A;
	s5 =	simm.s32 @!p2 $0x0  }
0x1d: {  	s5 =	simm.s32 @p1 $0x1;
	p0 =	seq.s32 s7, s2  }
0x1e: {  	s7 =	smul.u32 @!p0 $0xF7A, s2;
	p2 =	seq.s32 @!p0 s5, $0x0  }
0x1f: {  	s9 =	smul.u32 $0xF7A, s1;
	s8 =	simm.s32 @!p0 $0x1BF5;
	p2 =	por !p2, p0  }
0x20: {  	[sflag:s8] =	ssyncset.s32 @!p0 $0xFFFFF086;
	s6 =	sadd.s32 @!p0 s3, s7;
	s7 =	simm.s32 @!p0 $0x108  }
0x21: {  	s3 =	sadd.s32 s3, s9;
	s6 =	sadd.s32 @!p0 $0x88, s6;
	s7 =	simm.s32 @p2 $0x1082  }
0x22: {  	[simem:s7], [sflag:s8] =	dma.local @!p0 [hbm:s6], $0xF7A  }
0x23: {  	s9 =	sor.u32 $0xD0000000, s2;
	s6 =	simm.s32 $0x108;
	_ =	swait.ge @!p0 [sflag:s8], $0x0  }
0x24: {  	s3 =	sadd.s32 $0x88, s3;
	s6 =	simm.s32 @!p1 $0x1082;
	[sflag:s4] =	ssyncset.s32 $0xFFFFF086  }
0x25: {  	[simem:s6], [sflag:s4] =	dma.local [hbm:s3], $0xF7A  }
0x26: {  	[smem:$0x3F9B] =	sst s1;
	(tag) =	ssettag s2;
	_ =	strace s9  }
0x27: {  	s1 =	sld [smem:$0x3FAB]  }
0x28: {  	s2 =	sld [smem:$0x3FAC]  }
0x29: {  	s4 =	sld [smem:$0x3FAE]  }
0x2a: {  	p0 =	seq.s32 s5, $0x0;
	s5 =	sld [smem:$0x3FAF]  }
0x2b: {  	s6 =	sld [smem:$0x3FB0]  }
0x2c: {  	s7 =	sld [smem:$0x3FB1]  }
0x2d: {  	s3 =	simm.s32 $0x108;
	s8 =	sld [smem:$0x3FB2]  }
0x2e: {  	s3 =	simm.s32 @!p0 $0x1082;
	s9 =	sld [smem:$0x3FB3]  }
0x2f: {  	lr =	sadd.s32 s0, s3;
	s0 =	sld [smem:$0x3FAA]  }
0x30: {  	s3 =	sld [smem:$0x3FAD]  }
0x31: {  	[smem:$0x3FB6] =	sst s10  }
0x32: {  	s10 =	sld [smem:$0x3FB4];
	_ =	sdelay $0x3  }
0x33: {  	p0 =	seq.s32 s10, $0x1;
	s10 =	sld [smem:$0x3FB6];
	_ =	sdelay $0x3  }
0x34: {  	[smem:$0x3FB6] =	sst s10  }
0x35: {  	s10 =	sld [smem:$0x3FB5];
	_ =	sdelay $0x3  }
0x36: {  	p1 =	seq.s32 s10, $0x1;
	s10 =	sld [smem:$0x3FB6];
	_ =	sdelay $0x3  }
0x37: {  	[smem:$0x3FB6] =	sst s10  }
0x38: {  	s10 =	sld [smem:$0x3FB7]  }
0x39: {  	_ = 	snop;
	(pc) =	sbr.ind lr, $3  }
0x3a: {  	_ = 	snop  }
0x3b: {  	_ = 	snop  }
0x3c: {  	p2 =	seq.s32 s10, $0x1;
	s10 =	sld [smem:$0x3FB6]  }
0x3d: {  	_ =	shalt  }
0x3e: {  	_ =	shalt  }
0x3f: {  	_ =	shalt  }
0x40: {  	_ =	shalt  }
0x41: {  	_ =	shalt  }
0x42: {  	_ =	shalt  }
0x43: {  	_ =	shalt  }
0x44: {  	_ =	shalt  }
0x45: {  	_ =	shalt  }
0x46: {  	_ =	shalt  }
0x47: {  	_ =	shalt  }
0x48: {  	_ =	shalt  }
0x49: {  	_ =	shalt  }
0x4a: {  	_ =	shalt  }
0x4b: {  	_ =	shalt  }
0x4c: {  	_ =	shalt  }
0x4d: {  	_ =	shalt  }
0x4e: {  	_ =	shalt  }
0x4f: {  	_ =	shalt  }
0x50: {  	_ =	shalt  }
0x51: {  	_ =	shalt  }
0x52: {  	_ =	shalt  }
0x53: {  	_ =	shalt  }
0x54: {  	_ =	shalt  }
0x55: {  	_ =	shalt  }
0x56: {  	_ =	shalt  }
0x57: {  	_ =	shalt  }
0x58: {  	_ =	shalt  }
0x59: {  	_ =	shalt  }
0x5a: {  	_ =	shalt  }
0x5b: {  	_ =	shalt  }
0x5c: {  	_ =	shalt  }
0x5d: {  	_ =	shalt  }
0x5e: {  	_ =	shalt  }
0x5f: {  	_ =	shalt  }
0x60: {  	_ =	shalt  }
0x61: {  	_ =	shalt  }
0x62: {  	_ =	shalt  }
0x63: {  	_ =	shalt  }
0x64: {  	_ =	shalt  }
0x65: {  	_ =	shalt  }
0x66: {  	_ =	shalt  }
0x67: {  	_ =	shalt  }
0x68: {  	_ =	shalt  }
0x69: {  	_ =	shalt  }
0x6a: {  	_ =	shalt  }
0x6b: {  	_ =	shalt  }
0x6c: {  	_ =	shalt  }
0x6d: {  	_ =	shalt  }
0x6e: {  	_ =	shalt  }
0x6f: {  	_ =	shalt  }
0x70: {  	_ =	shalt  }
0x71: {  	_ =	shalt  }
0x72: {  	_ =	shalt  }
0x73: {  	_ =	shalt  }
0x74: {  	_ =	shalt  }
0x75: {  	_ =	shalt  }
0x76: {  	_ =	shalt  }
0x77: {  	_ =	shalt  }
0x78: {  	_ =	shalt  }
0x79: {  	_ =	shalt  }
0x7a: {  	_ =	shalt  }
0x7b: {  	_ =	shalt  }
0x7c: {  	_ =	shalt  }
0x7d: {  	_ =	shalt  }
0x7e: {  	_ =	shalt  }
0x7f: {  	_ =	shalt  }
0x80: {  	_ =	shalt  }
0x81: {  	_ =	shalt  }
0x82: {  	_ =	shalt  }
0x83: {  	_ =	shalt  }
0x84: {  	_ =	shalt  }
0x85: {  	_ =	shalt  }
0x86: {  	_ =	shalt  }
0x87: {  	_ =	shalt  }
.Lfunc_end0:
.L_simem_size_0:
called_computation_lowered:
.L_overlay_start_0:
0x88: {  	s2 =	sld [smem:$0x3FD9]  }
0x89: {  	s3 =	sld [smem:$0x3FFE];
	_ =	sdelay $0x1  }
0x8a: {  	s1 =	srdreg.scid  }
0x8b: {  	s0 =	sand.u32 $0x1, s1  }
0x8c: {  	s16 =	sshll.u32 s0, $0xA;
	s2 =	sadd.s32 s3, s2  }
0x8d: {  	s2 =	sadd.s32 s2, s16  }
0x8e: {  	[smem:$0x3FC2] =	sst s2  }
0x8f: {  	_ = 	snop  }
0x90: {  	(tm) =	ssettm $0x1  }
0x91: {  	s17 =	sld [smem:$0x3FFB];
	_ =	sdelay $0x3  }
0x92: {  	_ =	strace s17  }
0x93: {  	s2 =	sld [smem:$0x3FFC];
	_ =	sdelay $0x3  }
0x94: {  	_ =	strace s2  }
0x95: {  	s2 =	sld [smem:$0x3FFD];
	_ =	sdelay $0x3  }
0x96: {  	_ =	strace s2  }
0x97: {  	_ =	strace $0x8FFFFFFF  }
0x98: {  	s18 =	sld [smem:$0x3FDB];
	_ =	sdelay $0x1  }
0x99: {  	s19 =	simm.s32 $_scs_section_size  }
0x9a: {  	s4 =	simm.s32 $_size__tile_overlayer_lowered;
	s5 =	simm.s32 $_tile_overlayer_lowered  }
0x9b: {  	s22 =	simm.s32 $0x1BFF;
	s21 =	sshll.u32 s5, $0x1;
	s2 =	sadd.s32 s19, s18  }
0x9c: {  	s6 =	simm.s32 $0x0;
	s20 =	sshll.u32 s4, $0x1;
	s4 =	sadd.s32 s21, s2  }
0x9d: {  	[timem:s6], [sflag:s22] =	dma.local [hbm:s4], s20  }
0x9e: {  	_ =	swait.ge [sflag:s22], s20  }
0x9f: {  	s3 =	ssub.s32 $0x0, s20;
	[sflag:s22] =	ssyncset.done $0x0  }
0xa0: {  	[sflag:s22] =	ssyncadd.s32 s3;
	_ =	sdelay $0x1  }
0xa1: {  	s23 =	simm.s32 $0x1B8B  }
0xa2: {  	_ =	swait.ge [sflag:s23], $0x1  }
0xa3: {  	[sflag:s23] =	ssyncset.done $0x0  }
0xa4: {  	s25 =	simm.s32 $0x1B8E;
	s24 =	sld [smem:$0x3FFE];
	[sflag:s23] =	ssyncadd.s32 $0xFFFFFFFF  }
0xa5: {  	s26 =	simm.s32 $execute0_lowered;
	[smem:$0x3FD2] =	sst s25  }
0xa6: {  	s4 =	sshll.u32 s26, $0x1;
	_ =	strace $0x80000046;
	[dreg:$0x1] =	wrdreg $0xFFFFFFFF  }
0xa7: {  	s28 =	simm.s32 $_size_execute0_lowered;
	s2 =	sadd.s32 s2, s4;
	[dreg:$0x0] =	wrdreg $0x0  }
0xa8: {  	s4 =	sshll.u32 s28, $0x1;
	[dreg:$0x2] =	wrdreg s2  }
0xa9: {  	[dreg:$0x3] =	wrdreg s4  }
0xaa: {  	[dreg:$0x4] =	wrdreg $0xC0  }
0xab: {  	_ =	task [dreg:s6], $0x5FFFF  }
0xac: {  	[dreg:$0x1] =	wrdreg $0xFFFFFFFF  }
0xad: {  	[dreg:$0x0] =	wrdreg $0x60  }
0xae: {  	[dreg:$0x2] =	wrdreg s24  }
0xaf: {  	[dreg:$0x3] =	wrdreg $0x9  }
0xb0: {  	_ =	task.clear_ibuf [dreg:s6], $0x4FFFF;
	_ =	strace $0x90000046  }
0xb1: {  	s29 =	simm.s32 $0x9;
	_ =	strace $0x80000048  }
0xb2: {  	_ =	swait.ge [sflag:s29], $0x1  }
0xb3: {  	[sflag:s29] =	ssyncadd.s32 $0xFFFFFFFF  }
0xb4: {  	_ =	strace $0x90000048  }
0xb5: {  	_ =	sfence  }
0xb6: {  	s30 =	sld [smem:$0x0];
	_ =	sdelay $0x2  }
0xb7: {  	s31 =	sshll.u32 s1, $0xD;
	s1 =	sshrl.u32 s1, $0x2  }
0xb8: {  	s3 =	sand.u32 $0x4000, s31;
	s1 =	sadd.s32 s1, s30  }
0xb9: {  	s0 =	sor.u32 s3, s0;
	s1 =	sshll.u32 s1, $0x11  }
0xba: {  	s0 =	sor.u32 s1, s0  }
0xbb: {  	s0 =	sadd.s32 $0x8F2B, s0  }
0xbc: {  	[sflag:s0] =	ssyncadd.remote.s32 $0x1  }
0xbd: {  	_ =	sfence.sel $0xFFFF  }
0xbe: {  	[dreg:$0x0] =	wrdreg $0xFFFFFFFF;
	(pc) =	sbr.abs _section_cstart, $3  }
0xbf: {  	[dreg:$0x1] =	wrdreg $0xFFFFFFFF  }
0xc0: {  	_ =	task.clear_ibuf [dreg:s6], $0x2FFFF;
	_ =	strace $0x9FFFFFFF  }
0xc1: {  	(tm) =	ssettm $0x7FFFFFFF  }
tec
execute0_lowered:
.L_overlay_start_1:
0x0: {  	(tag) =	ssettag $0x1  }
0x1: {  	s0 =	srdreg.scid  }
0x2: {  	s4 =	rddreg [dreg:$0x0];
	s3 =	sand.u32 $0x1, s0  }
0x3: {  	s1 =	stileid.u32;
	s7 =	simm.s32 $0x2800;
	s2 =	sshll.u32 s3, $0x4  }
0x4: {  	s0 =	rddreg [dreg:$0x1];
	s3 =	ssub.s32 $0x2, s3;
	s5 =	sor.u32 s1, s2  }
0x5: {  	s2 =	simm.s32 $0x0;
	s6 =	sshrl.u32 s3, $0x1;
	s5 =	smul.u32 $0x500, s5  }
0x6: {  	s8 =	simm.s32 $0x0;
	[smem:$0x7FF] =	sst s2;
	s31 =	ssub.s32 s3, s6  }
0x7: {  	s6 =	simm.s32 $0x1;
	_ =	strace $0x80000047;
	s4 =	sadd.s32 s5, s4  }
0x8: {  	v0 =	vimm.f32 $0.0e+00;
	v1 =	vimm.f32 $1.000000000e+00;
	s5 =	smax.u32 s31, $0x1;
	s3 =	sadd.s32 $0x2400, s4;
	s4 =	sadd.s32 $0xC400, s4  }
.LBB2_1:
0x9: {  	[tilespmem:s2], [sflag:$0x1] =	stream.linear.gather [hbm4b:s3+s2], $0x2800, $0x38;
	[tilespmem:$0x5000] =	vst v63  }
0xa: {  	_ =	swait.ge [sflag:s6], $0x2800  }
0xb: {  	[sflag:s6] =	ssyncset.done $0x0  }
0xc: {  	s9 =	simm.s32 $0x0;
	[sflag:s6] =	ssyncadd.s32 $0xFFFFD800  }
.LBB2_2:
0xd: {  	p0 =	sne.s32 s9, $0x9FC0  }
.Ltmp0:
0xe: {  	_ = 	snop;
	(pc) =	sbr.rel @p0 .LBB2_2-.Ltmp0, $3  }
0xf: {  	_ =	sdelay $0x1  }
0x10: {  	s10 =	sshra.s32 s9, $0x2  }
0x11: {  	s9 =	sadd.s32 $0x40, s9;
	[tilespmem:s10+$0x2800] =	vst v0  }
0x12: {  	s10 =	simm.s32 $0x0;
	s9 =	simm.s32 $0x40  }
.LBB2_4:
0x13: {  	p0 =	sne.s32 s9, $0x9FC0;
	v2 =	vld [tilespmem:s10+$0x0];
	_ =	sdelay $0x3  }
.Ltmp1:
0x14: {  	(pc) =	sbr.rel @p0 .LBB2_4-.Ltmp1, $2  }
0x15: {  	_ =	sdelay $0x2  }
0x16: {  	s10 =	sshra.s32 s9, $0x2;
	s9 =	sadd.s32 $0x40, s9;
	[tilespmem:v2+s7+$0x0] =	vst.idx.add.f32.msk $0xffff, v1  }
0x17: {  	v2 =	vld [tilespmem:s10+$0x0];
	_ =	sdelay $0x5  }
0x18: {  	s8 =	sadd.s32 $0x1, s8  }
0x19: {  	p0 =	sne.s32 s8, s5  }
.Ltmp2:
0x1a: {  	[tilespmem:v2+s7+$0x0] =	vst.idx.add.f32.msk $0xffff, v1;
	(pc) =	sbr.rel @p0 .LBB2_1-.Ltmp2, $4  }
0x1b: {  	[hbm4b:s4+s2] =	stream.linear.scatter [tilespmem:s7], [sflag:$0x1], $0x2800, $0x38;
	[tilespmem:$0x5000] =	vst v63  }
0x1c: {  	_ =	swait.ge [sflag:s6], $0x2800  }
0x1d: {  	[sflag:s6] =	ssyncset.done $0x0  }
0x1e: {  	[sflag:s6] =	ssyncadd.s32 $0xFFFFD800  }
0x1f: {  	_ =	sfence.sel $0x180000  }
0x20: {  	[bflag:$0x0] =	sbarrier.arrive $0xFFFF  }
0x21: {  	p0 =	sne.s32 s1, $0x0;
	_ =	strace $0x90000047  }
0x22: {  	s0 =	sadd.s32 @!p0 $0x100000, s0;
	[bflag:$0x2] =	sbarrier.arrive $0xFFFF  }
0x23: {  	[sflag:s0] =	ssyncadd.tile.s32 @!p0 $0x1;
	_ =	shalt  }
.Lfunc_end2:
_tile_overlayer_lowered:
.L_overlay_start_2:
0x24: {  	(tag) =	ssettag $0x2  }
0x25: {  	s0 =	rddreg [dreg:$0x0];
	s2 =	stileid.u32  }
0x26: {  	s1 =	rddreg [dreg:$0x1];
	p0 =	sne.s32 s2, $0x0  }
0x27: {  	s3 =	rddreg [dreg:$0x2];
	[bflag:$0x3] =	sbarrier.arrive $0xFFFF;
	s2 =	simm.s32 @!p0 $0x1C01  }
0x28: {  	[timem:s3], [sflag:s2] =	dma.local @!p0 [hbm:s0], s1  }
0x29: {  	s0 =	simm.s32 @!p0 $0x1  }
0x2a: {  	_ =	swait.ge @!p0 [sflag:s0], s1  }
0x2b: {  	s1 =	ssub.s32 @!p0 $0x0, s1;
	[sflag:s0] =	ssyncset.done @!p0 $0x0  }
0x2c: {  	[sflag:s0] =	ssyncadd.s32 @!p0 s1  }
0x2d: {  	[bflag:$0x3] =	sbarrier.arrive $0xFFFF  }
0x2e: {  	_ =	shalt  }

</sc_bundles>
